<compile_context>
chip_gen: v7x
topology: tpu7x:2x2x1
jax: 0.10.2.dev20260603
libtpu: 0.0.44.dev20260713+nightly
codegen_flags: <defaults>
</compile_context>

<pallas_src>
import dataclasses
import functools

import jax
import jax.numpy as jnp
from jax import lax
from jax.experimental import pallas as pl
from jax.experimental.pallas import tpu as pltpu
from jax.experimental.pallas import tpu_sc as plsc


def kernel(x, edge_index, W, b):
    N, D = x.shape
    E = edge_index.shape[1]
    Dh = D // 2

    CH = 128
    NW = 16
    PAD_UNIT = 2 * NW * CH
    E_pad = ((E + PAD_UNIT - 1) // PAD_UNIT) * PAD_UNIT
    ROWS = E_pad // CH
    RPS_B = ROWS // NW

    NT = N + NW
    ZB = (NT // (8 * NW)) * 8
    ZTAIL = NT - NW * ZB
    CB = (N // (8 * NW)) * 8
    CTAIL = N - NW * CB
    assert D % 2 == 0 and N % 8 == 0 and ZTAIL <= CH and CTAIL <= CH

    src = edge_index[0].astype(jnp.int32)
    dst = edge_index[1].astype(jnp.int32)
    pad = E_pad - E
    src_p = jnp.concatenate([src, jnp.zeros((pad,), jnp.int32)])
    dst_p = jnp.concatenate([dst, jnp.full((pad,), N, jnp.int32)])
    dst2d = dst_p.reshape(ROWS, CH)
    src2d = src_p.reshape(ROWS, CH)
    src3d = jnp.stack([src2d, src2d + N])

    zeros_b = jnp.zeros((CH, Dh), jnp.float32)

    mesh = plsc.VectorSubcoreMesh(core_axis_name="c", subcore_axis_name="s")


    EPW = E_pad // (2 * NW)
    assert EPW % 16 == 0 and N % 16 == 0

    @functools.partial(
        pl.kernel,
        out_type=jax.ShapeDtypeStruct((2, NW, 1, N), jnp.int32),
        mesh=mesh,
        scratch_types=[
            pltpu.VMEM((EPW,), jnp.int32),
            pltpu.VMEM((NT,), jnp.int32),
            pltpu.SemaphoreType.DMA,
        ],
        compiler_params=dataclasses.replace(
            pltpu.CompilerParams(), needs_layout_passes=False),
    )
    def degree_k(dst1d_hbm, deg_hbm, idx_v, hist_v, sem):
        c = lax.axis_index("c")
        s = lax.axis_index("s")
        w = c * NW + s
        pltpu.sync_copy(dst1d_hbm.at[pl.ds(w * EPW, EPW)], idx_v)

        @pl.loop(0, NT, step=16)
        def _(i):
            hist_v[pl.ds(i, 16)] = jnp.zeros((16,), jnp.int32)

        ones16 = jnp.ones((16,), jnp.int32)

        @pl.loop(0, EPW, step=16)
        def _(i):
            plsc.addupdate_scatter(hist_v, [idx_v[pl.ds(i, 16)]], ones16)

        pltpu.sync_copy(hist_v.at[pl.ds(0, N)], deg_hbm.at[c, s, 0])

    deg_hists = degree_k(dst_p)

    def degsum_body(d_ref, o_ref):
        o_ref[...] = jnp.sum(d_ref[...], axis=(0, 1))

    cnt_row = pl.pallas_call(
        degsum_body,
        grid=(1,),
        in_specs=[pl.BlockSpec((2, NW, 1, N), lambda i: (0, 0, 0, 0))],
        out_specs=pl.BlockSpec((1, N), lambda i: (0, 0)),
        out_shape=jax.ShapeDtypeStruct((1, N), jnp.int32),
    )(deg_hists)
    cnt_col = cnt_row.reshape(N, 1)

    BM = 2000

    def mm_body(x_ref, w_ref, cnt_ref, o_ref):
        dis = lax.rsqrt(cnt_ref[...].astype(jnp.float32) + 1.0)
        o_ref[...] = jnp.dot(x_ref[...], w_ref[...],
                             preferred_element_type=jnp.float32) * dis

    h2s = pl.pallas_call(
        mm_body,
        grid=(N // BM, 2),
        in_specs=[pl.BlockSpec((BM, D), lambda r, c: (r, 0)),
                  pl.BlockSpec((D, Dh), lambda r, c: (0, c)),
                  pl.BlockSpec((BM, 1), lambda r, c: (r, 0))],
        out_specs=pl.BlockSpec((BM, Dh), lambda r, c: (c * (N // BM) + r, 0)),
        out_shape=jax.ShapeDtypeStruct((2 * N, Dh), jnp.float32),
    )(x, W, cnt_col)

    HALF = RPS_B // 2
    assert HALF % 2 == 0

    @functools.partial(
        pl.kernel,
        out_type=jax.ShapeDtypeStruct((2, N, Dh), jnp.float32),
        mesh=mesh,
        scratch_types=[
            pltpu.VMEM((HALF, CH), jnp.int32),
            pltpu.VMEM((HALF, CH), jnp.int32),
            pltpu.VMEM((CH, Dh), jnp.float32),
            pltpu.VMEM((CH, Dh), jnp.float32),
            pltpu.VMEM_SHARED((NT, Dh), jnp.float32),
            pltpu.SemaphoreType.DMA,
            pltpu.SemaphoreType.DMA,
            pltpu.SemaphoreType.DMA,
            pltpu.SemaphoreType.DMA,
        ],
    )
    def agg_k(src_hbm, dst_hbm, tab_hbm, zeros_hbm, out_hbm,
              src_v, dst_v, rows0, rows1, acc_sh,
              sem_g0, sem_g1, sem_s0, sem_s1):
        c = lax.axis_index("c")
        s = lax.axis_index("s")
        pltpu.sync_copy(zeros_hbm, rows0)
        zbase = s * ZB
        nfull = ZB // CH

        @pl.loop(0, nfull)
        def _(i):
            pltpu.sync_copy(rows0, acc_sh.at[pl.ds(zbase + i * CH, CH)])

        rem = ZB - nfull * CH
        pltpu.sync_copy(rows0.at[pl.ds(0, rem)],
                        acc_sh.at[pl.ds(zbase + nfull * CH, rem)])

        @pl.when(s == NW - 1)
        def _():
            pltpu.sync_copy(rows0.at[pl.ds(0, ZTAIL)],
                            acc_sh.at[pl.ds(NW * ZB, ZTAIL)])

        plsc.subcore_barrier()
        row0 = s * RPS_B

        for half in range(2):
            hbase = row0 + half * HALF
            pltpu.sync_copy(src_hbm.at[c].at[pl.ds(hbase, HALF)], src_v)
            pltpu.sync_copy(dst_hbm.at[pl.ds(hbase, HALF)], dst_v)

            @pl.loop(0, HALF // 2)
            def _(t):
                j0 = 2 * t

                @pl.when(t > 0)
                def _():
                    pltpu.make_async_copy(
                        rows0, acc_sh.at[dst_v.at[j0 - 2]], sem_s0).wait()

                pltpu.async_copy(tab_hbm.at[src_v.at[j0]], rows0,
                                 sem_g0).wait()
                pltpu.async_copy(rows0, acc_sh.at[dst_v.at[j0]], sem_s0,
                                 add=True)

                @pl.when(t > 0)
                def _():
                    pltpu.make_async_copy(
                        rows1, acc_sh.at[dst_v.at[j0 - 1]], sem_s1).wait()

                pltpu.async_copy(tab_hbm.at[src_v.at[j0 + 1]], rows1,
                                 sem_g1).wait()
                pltpu.async_copy(rows1, acc_sh.at[dst_v.at[j0 + 1]], sem_s1,
                                 add=True)

            pltpu.make_async_copy(
                rows0, acc_sh.at[dst_v.at[HALF - 2]], sem_s0).wait()
            pltpu.make_async_copy(
                rows1, acc_sh.at[dst_v.at[HALF - 1]], sem_s1).wait()

        plsc.subcore_barrier()
        ob = s * CB
        pltpu.sync_copy(acc_sh.at[pl.ds(ob, CB)],
                        out_hbm.at[c].at[pl.ds(ob, CB)])

        @pl.when(s == NW - 1)
        def _():
            pltpu.sync_copy(acc_sh.at[pl.ds(NW * CB, CTAIL)],
                            out_hbm.at[c].at[pl.ds(NW * CB, CTAIL)])

    acc = agg_k(src3d, dst2d, h2s, zeros_b)

    b2 = jnp.broadcast_to(b.reshape(1, D), (8, D))

    def fin_body(acc_ref, h2_ref, cnt_ref, b_ref, o_ref):
        dis = lax.rsqrt(cnt_ref[...].astype(jnp.float32) + 1.0)
        o_ref[...] = (acc_ref[0] + h2_ref[...]) * dis + b_ref[0:1, :]

    out = pl.pallas_call(
        fin_body,
        grid=(N // BM, 2),
        in_specs=[
            pl.BlockSpec((1, BM, Dh), lambda r, c: (c, r, 0)),
            pl.BlockSpec((BM, Dh), lambda r, c: (c * (N // BM) + r, 0)),
            pl.BlockSpec((BM, 1), lambda r, c: (r, 0)),
            pl.BlockSpec((8, Dh), lambda r, c: (0, c)),
        ],
        out_specs=pl.BlockSpec((BM, Dh), lambda r, c: (r, c)),
        out_shape=jax.ShapeDtypeStruct((N, D), jnp.float32),
    )(acc, h2s, cnt_col, b2)
    return out

# --- scband reference (transcript-rebuilt; emitter-appended) ---
"""Pipeline reference for scband-linear-decoder-18433999634990 (READ-ONLY COPY).

The authoritative reference and input builder live on the scoring server;
editing this copy changes nothing except your own understanding.
"""

import jax, jax.numpy as jnp
import numpy as np

N_NODES = 10000
N_EDGES = 160000
D_IN = 256
D_OUT = 256


def setup_inputs(seed: int = 0) -> dict:
    key = jax.random.key(seed)
    k1, k2, k3, k4 = jax.random.split(key, 4)
    x = jax.random.normal(k1, (N_NODES, D_IN), dtype=jnp.float32)
    edge_index = jax.random.randint(k2, (2, N_EDGES), 0, N_NODES, dtype=jnp.int64)
    # GCNConv learned params (glorot weight, zero bias as in PyG defaults)
    limit = float(np.sqrt(6.0 / (D_IN + D_OUT)))
    W = jax.random.uniform(k3, (D_IN, D_OUT), minval=-limit, maxval=limit, dtype=jnp.float32)
    b = jnp.zeros((D_OUT,), dtype=jnp.float32)
    return {"x": x, "edge_index": edge_index, "W": W, "b": b}


def reference(x, edge_index, W, b):
    # Faithful GCNConv: add self-loops, symmetric normalization, linear, scatter-add aggregate, bias.
    N = x.shape[0]
    loop = jnp.arange(N, dtype=edge_index.dtype)
    src = jnp.concatenate([edge_index[0], loop])
    dst = jnp.concatenate([edge_index[1], loop])
    # degree computed on destination nodes with unit edge weights
    deg = jnp.zeros((N,), dtype=x.dtype).at[dst].add(1.0)
    deg_inv_sqrt = jnp.where(deg > 0, deg ** -0.5, 0.0)
    norm = deg_inv_sqrt[src] * deg_inv_sqrt[dst]
    h = x @ W
    msgs = h[src] * norm[:, None]
    out = jnp.zeros((N, W.shape[1]), dtype=x.dtype).at[dst].add(msgs)
    return out + b

if __name__ == "__main__":
    import jax
    _d = setup_inputs()
    print(jax.jit(kernel)(*tuple(_d.values())))

</pallas_src>

<mosaic_0001>
#map = affine_map<(d0, d1) -> (0)>
#map1 = affine_map<(d0, d1) -> (0, 0, 0, 0)>
module attributes {stable_mosaic.version = 14 : i64} {
  func.func @degree_k(%arg0: i32, %arg1: i32, %arg2: memref<163840xi32, #tpu.memory_space<hbm>>, %arg3: memref<2x16x1x10000xi32, #tpu.memory_space<hbm>>, %arg4: memref<5120xi32, #tpu.memory_space<vmem>>, %arg5: memref<10016xi32, #tpu.memory_space<vmem>>, %arg6: memref<!tpu.dma_semaphore, #tpu.memory_space<semaphore_mem>>) attributes {dimension_semantics = [#tpu.dimension_semantics<core_parallel>, #tpu.dimension_semantics<subcore_parallel>], iteration_bounds = array<i64: 2, 16>, scalar_prefetch = 0 : i64, scratch_operands = 3 : i64, tpu.core_type = #tpu.core_type<sc_vector_subcore>, window_params = [{transform_indices = #map}, {transform_indices = #map1}]} {
    %mul3A = arith.constant 16 : i32
    %mul3A_0 = arith.muli %arg0, %mul3A : i32
    %add3A = arith.addi %mul3A_0, %arg1 : i32
    %mul3A_1 = arith.constant 5120 : i32
    %mul3A_2 = arith.muli %add3A, %mul3A_1 : i32
    "tpu.region"() ({
      %run_scoped3A_13 = tpu.sem_alloc : memref<!tpu.dma_semaphore, #tpu.memory_space<semaphore_mem>>
      %dma_start3A = tpu.memref_slice %arg2[%mul3A_2] : memref<163840xi32, #tpu.memory_space<hbm>> -> memref<5120xi32, #tpu.memory_space<hbm>>
      %dma_start3A_14 = tpu.memref_slice %arg2[%mul3A_2] : memref<163840xi32, #tpu.memory_space<hbm>> -> memref<5120xi32, #tpu.memory_space<hbm>>
      tpu.enqueue_dma source(%dma_start3A_14 : memref<5120xi32, #tpu.memory_space<hbm>>) target(%arg4 : memref<5120xi32, #tpu.memory_space<vmem>>) target_semaphore(%run_scoped3A_13 : memref<!tpu.dma_semaphore, #tpu.memory_space<semaphore_mem>>)
      %dma_wait3A = tpu.memref_slice %arg2[%mul3A_2] : memref<163840xi32, #tpu.memory_space<hbm>> -> memref<5120xi32, #tpu.memory_space<hbm>>
      %dma_wait3A_15 = tpu.memref_slice %arg2[%mul3A_2] : memref<163840xi32, #tpu.memory_space<hbm>> -> memref<5120xi32, #tpu.memory_space<hbm>>
      tpu.wait_dma2 semaphore(%run_scoped3A_13 : memref<!tpu.dma_semaphore, #tpu.memory_space<semaphore_mem>>) src(%dma_wait3A_15 : memref<5120xi32, #tpu.memory_space<hbm>>) dst(%arg4 : memref<5120xi32, #tpu.memory_space<vmem>>)
      tpu.yield
    }) : () -> ()
    %scan3A = arith.constant 0 : i32
    %scan3A_3 = arith.constant 626 : i32
    %scan3A_4 = arith.addi %scan3A, %scan3A_3 : i32
    %scan3A_5 = arith.constant 1 : i32
    scf.for %scan3A_13 = %scan3A to %scan3A_4 step %scan3A_5  : i32 {
      %mul3A_14 = arith.constant 16 : i32
      %mul3A_15 = arith.muli %scan3A_13, %mul3A_14 : i32
      %add3A_16 = arith.constant 0 : i32
      %add3A_17 = arith.addi %add3A_16, %mul3A_15 : i32
      %broadcast_in_dim3A_18 = arith.constant 0 : i32
      %broadcast_in_dim3A_19 = vector.broadcast %broadcast_in_dim3A_18 : i32 to vector<16xi32>
      %swap3A = arith.index_cast %add3A_17 : i32 to index
      %swap3A_20 = tpu.vector_load %arg5[%swap3A] {strides = array<i32>} : memref<10016xi32, #tpu.memory_space<vmem>>, vector<16xi32>,
      tpu.vector_store %arg5[%swap3A], %broadcast_in_dim3A_19 {strides = array<i32>} : memref<10016xi32, #tpu.memory_space<vmem>>, vector<16xi32>,
    }
    %scan3A_6 = arith.constant 626 : i32
    %broadcast_in_dim3A = arith.constant 1 : i32
    %broadcast_in_dim3A_7 = vector.broadcast %broadcast_in_dim3A : i32 to vector<16xi32>
    %scan3A_8 = arith.constant 0 : i32
    %scan3A_9 = arith.constant 320 : i32
    %scan3A_10 = arith.addi %scan3A_8, %scan3A_9 : i32
    %scan3A_11 = arith.constant 1 : i32
    scf.for %scan3A_13 = %scan3A_8 to %scan3A_10 step %scan3A_11  : i32 {
      %mul3A_14 = arith.constant 16 : i32
      %mul3A_15 = arith.muli %scan3A_13, %mul3A_14 : i32
      %add3A_16 = arith.constant 0 : i32
      %add3A_17 = arith.addi %add3A_16, %mul3A_15 : i32
      %get3A = arith.index_cast %add3A_17 : i32 to index
      %get3A_18 = tpu.vector_load %arg4[%get3A] {strides = array<i32>} : memref<5120xi32, #tpu.memory_space<vmem>>, vector<16xi32>,
      tpu.vector_store_idx %arg5[%get3A_18], %broadcast_in_dim3A_7 {add = true} : memref<10016xi32, #tpu.memory_space<vmem>>[vector<16xi32>], vector<16xi32>,
    }
    %scan3A_12 = arith.constant 320 : i32
    %run_scoped3A = arith.constant 0 : i32
    "tpu.region"() ({
      %run_scoped3A_13 = tpu.sem_alloc : memref<!tpu.dma_semaphore, #tpu.memory_space<semaphore_mem>>
      %dma_start3A = arith.constant 0 : i32
      %dma_start3A_14 = tpu.memref_slice %arg5[%dma_start3A] : memref<10016xi32, #tpu.memory_space<vmem>> -> memref<10000xi32, #tpu.memory_space<vmem>>
      %dma_start3A_15 = arith.constant 0 : i32
      %dma_start3A_16 = tpu.memref_slice %arg3[%arg0, %arg1, %run_scoped3A, %dma_start3A_15] : memref<2x16x1x10000xi32, #tpu.memory_space<hbm>> -> memref<1x1x1x10000xi32, #tpu.memory_space<hbm>>
      %dma_start3A_17 = tpu.memref_squeeze %dma_start3A_16 : memref<1x1x1x10000xi32, #tpu.memory_space<hbm>> -> memref<10000xi32, #tpu.memory_space<hbm>>
      %dma_start3A_18 = arith.constant 0 : i32
      %dma_start3A_19 = tpu.memref_slice %arg3[%arg0, %arg1, %run_scoped3A, %dma_start3A_18] : memref<2x16x1x10000xi32, #tpu.memory_space<hbm>> -> memref<1x1x1x10000xi32, #tpu.memory_space<hbm>>
      %dma_start3A_20 = tpu.memref_squeeze %dma_start3A_19 : memref<1x1x1x10000xi32, #tpu.memory_space<hbm>> -> memref<10000xi32, #tpu.memory_space<hbm>>
      %dma_start3A_21 = arith.constant 0 : i32
      %dma_start3A_22 = tpu.memref_slice %arg5[%dma_start3A_21] : memref<10016xi32, #tpu.memory_space<vmem>> -> memref<10000xi32, #tpu.memory_space<vmem>>
      tpu.enqueue_dma source(%dma_start3A_22 : memref<10000xi32, #tpu.memory_space<vmem>>) target(%dma_start3A_20 : memref<10000xi32, #tpu.memory_space<hbm>>) target_semaphore(%run_scoped3A_13 : memref<!tpu.dma_semaphore, #tpu.memory_space<semaphore_mem>>)
      %dma_wait3A = arith.constant 0 : i32
      %dma_wait3A_23 = tpu.memref_slice %arg5[%dma_wait3A] : memref<10016xi32, #tpu.memory_space<vmem>> -> memref<10000xi32, #tpu.memory_space<vmem>>
      %dma_wait3A_24 = arith.constant 0 : i32
      %dma_wait3A_25 = tpu.memref_slice %arg3[%arg0, %arg1, %run_scoped3A, %dma_wait3A_24] : memref<2x16x1x10000xi32, #tpu.memory_space<hbm>> -> memref<1x1x1x10000xi32, #tpu.memory_space<hbm>>
      %dma_wait3A_26 = tpu.memref_squeeze %dma_wait3A_25 : memref<1x1x1x10000xi32, #tpu.memory_space<hbm>> -> memref<10000xi32, #tpu.memory_space<hbm>>
      %dma_wait3A_27 = arith.constant 0 : i32
      %dma_wait3A_28 = tpu.memref_slice %arg3[%arg0, %arg1, %run_scoped3A, %dma_wait3A_27] : memref<2x16x1x10000xi32, #tpu.memory_space<hbm>> -> memref<1x1x1x10000xi32, #tpu.memory_space<hbm>>
      %dma_wait3A_29 = tpu.memref_squeeze %dma_wait3A_28 : memref<1x1x1x10000xi32, #tpu.memory_space<hbm>> -> memref<10000xi32, #tpu.memory_space<hbm>>
      %dma_wait3A_30 = arith.constant 0 : i32
      %dma_wait3A_31 = tpu.memref_slice %arg5[%dma_wait3A_30] : memref<10016xi32, #tpu.memory_space<vmem>> -> memref<10000xi32, #tpu.memory_space<vmem>>
      tpu.wait_dma2 semaphore(%run_scoped3A_13 : memref<!tpu.dma_semaphore, #tpu.memory_space<semaphore_mem>>) src(%dma_wait3A_31 : memref<10000xi32, #tpu.memory_space<vmem>>) dst(%dma_wait3A_29 : memref<10000xi32, #tpu.memory_space<hbm>>)
      tpu.yield
    }) : () -> ()
    return
  }
}

#map = affine_map<(d0, d1) -> (0, 0, 0)>
#map1 = affine_map<(d0, d1) -> (0, 0)>
module attributes {stable_mosaic.version = 14 : i64} {
  func.func @agg_k(%arg0: i32, %arg1: i32, %arg2: memref<2x1280x128xi32, #tpu.memory_space<hbm>>, %arg3: memref<1280x128xi32, #tpu.memory_space<hbm>>, %arg4: memref<20000x128xf32, #tpu.memory_space<hbm>>, %arg5: memref<128x128xf32, #tpu.memory_space<hbm>>, %arg6: memref<2x10000x128xf32, #tpu.memory_space<hbm>>, %arg7: memref<40x128xi32, #tpu.memory_space<vmem>>, %arg8: memref<40x128xi32, #tpu.memory_space<vmem>>, %arg9: memref<128x128xf32, #tpu.memory_space<vmem>>, %arg10: memref<128x128xf32, #tpu.memory_space<vmem>>, %arg11: memref<10016x128xf32, #tpu.memory_space<vmem_shared>>, %arg12: memref<!tpu.dma_semaphore, #tpu.memory_space<semaphore_mem>>, %arg13: memref<!tpu.dma_semaphore, #tpu.memory_space<semaphore_mem>>, %arg14: memref<!tpu.dma_semaphore, #tpu.memory_space<semaphore_mem>>, %arg15: memref<!tpu.dma_semaphore, #tpu.memory_space<semaphore_mem>>) attributes {dimension_semantics = [#tpu.dimension_semantics<core_parallel>, #tpu.dimension_semantics<subcore_parallel>], iteration_bounds = array<i64: 2, 16>, scalar_prefetch = 0 : i64, scratch_operands = 9 : i64, tpu.core_type = #tpu.core_type<sc_vector_subcore>, window_params = [{transform_indices = #map}, {transform_indices = #map1}, {transform_indices = #map1}, {transform_indices = #map1}, {transform_indices = #map}]} {
    "tpu.region"() ({
      %run_scoped3A = tpu.sem_alloc : memref<!tpu.dma_semaphore, #tpu.memory_space<semaphore_mem>>
      tpu.enqueue_dma source(%arg5 : memref<128x128xf32, #tpu.memory_space<hbm>>) target(%arg9 : memref<128x128xf32, #tpu.memory_space<vmem>>) target_semaphore(%run_scoped3A : memref<!tpu.dma_semaphore, #tpu.memory_space<semaphore_mem>>)
      tpu.wait_dma2 semaphore(%run_scoped3A : memref<!tpu.dma_semaphore, #tpu.memory_space<semaphore_mem>>) src(%arg5 : memref<128x128xf32, #tpu.memory_space<hbm>>) dst(%arg9 : memref<128x128xf32, #tpu.memory_space<vmem>>)
      tpu.yield
    }) : () -> ()
    %mul3A = arith.constant 624 : i32
    %mul3A_0 = arith.muli %arg1, %mul3A : i32
    %scan3A = arith.constant 0 : i32
    %scan3A_1 = arith.constant 4 : i32
    %scan3A_2 = arith.addi %scan3A, %scan3A_1 : i32
    %scan3A_3 = arith.constant 1 : i32
    scf.for %scan3A_59 = %scan3A to %scan3A_2 step %scan3A_3  : i32 {
      %mul3A_60 = arith.constant 1 : i32
      %mul3A_61 = arith.muli %scan3A_59, %mul3A_60 : i32
      %add3A_62 = arith.constant 0 : i32
      %add3A_63 = arith.addi %add3A_62, %mul3A_61 : i32
      %mul3A_64 = arith.constant 128 : i32
      %mul3A_65 = arith.muli %add3A_63, %mul3A_64 : i32
      %add3A_66 = arith.addi %mul3A_0, %mul3A_65 : i32
      "tpu.region"() ({
        %run_scoped3A = tpu.sem_alloc : memref<!tpu.dma_semaphore, #tpu.memory_space<semaphore_mem>>
        %dma_start3A = arith.constant 0 : i32
        %dma_start3A_67 = tpu.memref_slice %arg11[%add3A_66, %dma_start3A] : memref<10016x128xf32, #tpu.memory_space<vmem_shared>> -> memref<128x128xf32, #tpu.memory_space<vmem_shared>>
        %dma_start3A_68 = arith.constant 0 : i32
        %dma_start3A_69 = tpu.memref_slice %arg11[%add3A_66, %dma_start3A_68] : memref<10016x128xf32, #tpu.memory_space<vmem_shared>> -> memref<128x128xf32, #tpu.memory_space<vmem_shared>>
        tpu.enqueue_dma source(%arg9 : memref<128x128xf32, #tpu.memory_space<vmem>>) target(%dma_start3A_69 : memref<128x128xf32, #tpu.memory_space<vmem_shared>>) target_semaphore(%run_scoped3A : memref<!tpu.dma_semaphore, #tpu.memory_space<semaphore_mem>>)
        %dma_wait3A_70 = arith.constant 0 : i32
        %dma_wait3A_71 = tpu.memref_slice %arg11[%add3A_66, %dma_wait3A_70] : memref<10016x128xf32, #tpu.memory_space<vmem_shared>> -> memref<128x128xf32, #tpu.memory_space<vmem_shared>>
        %dma_wait3A_72 = arith.constant 0 : i32
        %dma_wait3A_73 = tpu.memref_slice %arg11[%add3A_66, %dma_wait3A_72] : memref<10016x128xf32, #tpu.memory_space<vmem_shared>> -> memref<128x128xf32, #tpu.memory_space<vmem_shared>>
        tpu.wait_dma2 semaphore(%run_scoped3A : memref<!tpu.dma_semaphore, #tpu.memory_space<semaphore_mem>>) src(%arg9 : memref<128x128xf32, #tpu.memory_space<vmem>>) dst(%dma_wait3A_73 : memref<128x128xf32, #tpu.memory_space<vmem_shared>>)
        tpu.yield
      }) : () -> ()
    }
    %scan3A_4 = arith.constant 4 : i32
    %add3A = arith.constant 512 : i32
    %add3A_5 = arith.addi %mul3A_0, %add3A : i32
    "tpu.region"() ({
      %run_scoped3A = tpu.sem_alloc : memref<!tpu.dma_semaphore, #tpu.memory_space<semaphore_mem>>
      %dma_start3A = arith.constant 0 : i32
      %dma_start3A_59 = arith.constant 0 : i32
      %dma_start3A_60 = tpu.memref_slice %arg9[%dma_start3A, %dma_start3A_59] : memref<128x128xf32, #tpu.memory_space<vmem>> -> memref<112x128xf32, #tpu.memory_space<vmem>>
      %dma_start3A_61 = arith.constant 0 : i32
      %dma_start3A_62 = tpu.memref_slice %arg11[%add3A_5, %dma_start3A_61] : memref<10016x128xf32, #tpu.memory_space<vmem_shared>> -> memref<112x128xf32, #tpu.memory_space<vmem_shared>>
      %dma_start3A_63 = arith.constant 0 : i32
      %dma_start3A_64 = tpu.memref_slice %arg11[%add3A_5, %dma_start3A_63] : memref<10016x128xf32, #tpu.memory_space<vmem_shared>> -> memref<112x128xf32, #tpu.memory_space<vmem_shared>>
      %dma_start3A_65 = arith.constant 0 : i32
      %dma_start3A_66 = arith.constant 0 : i32
      %dma_start3A_67 = tpu.memref_slice %arg9[%dma_start3A_65, %dma_start3A_66] : memref<128x128xf32, #tpu.memory_space<vmem>> -> memref<112x128xf32, #tpu.memory_space<vmem>>
      tpu.enqueue_dma source(%dma_start3A_67 : memref<112x128xf32, #tpu.memory_space<vmem>>) target(%dma_start3A_64 : memref<112x128xf32, #tpu.memory_space<vmem_shared>>) target_semaphore(%run_scoped3A : memref<!tpu.dma_semaphore, #tpu.memory_space<semaphore_mem>>)
      %dma_wait3A_68 = arith.constant 0 : i32
      %dma_wait3A_69 = arith.constant 0 : i32
      %dma_wait3A_70 = tpu.memref_slice %arg9[%dma_wait3A_68, %dma_wait3A_69] : memref<128x128xf32, #tpu.memory_space<vmem>> -> memref<112x128xf32, #tpu.memory_space<vmem>>
      %dma_wait3A_71 = arith.constant 0 : i32
      %dma_wait3A_72 = tpu.memref_slice %arg11[%add3A_5, %dma_wait3A_71] : memref<10016x128xf32, #tpu.memory_space<vmem_shared>> -> memref<112x128xf32, #tpu.memory_space<vmem_shared>>
      %dma_wait3A_73 = arith.constant 0 : i32
      %dma_wait3A_74 = tpu.memref_slice %arg11[%add3A_5, %dma_wait3A_73] : memref<10016x128xf32, #tpu.memory_space<vmem_shared>> -> memref<112x128xf32, #tpu.memory_space<vmem_shared>>
      %dma_wait3A_75 = arith.constant 0 : i32
      %dma_wait3A_76 = arith.constant 0 : i32
      %dma_wait3A_77 = tpu.memref_slice %arg9[%dma_wait3A_75, %dma_wait3A_76] : memref<128x128xf32, #tpu.memory_space<vmem>> -> memref<112x128xf32, #tpu.memory_space<vmem>>
      tpu.wait_dma2 semaphore(%run_scoped3A : memref<!tpu.dma_semaphore, #tpu.memory_space<semaphore_mem>>) src(%dma_wait3A_77 : memref<112x128xf32, #tpu.memory_space<vmem>>) dst(%dma_wait3A_74 : memref<112x128xf32, #tpu.memory_space<vmem_shared>>)
      tpu.yield
    }) : () -> ()
    %eq3A = arith.constant 15 : i32
    %eq3A_6 = arith.cmpi eq, %arg1, %eq3A : i32
    %convert_element_type3A = arith.extui %eq3A_6 : i1 to i32
    %cond3A = arith.constant 0 : i32
    %cond3A_7 = arith.cmpi ne, %convert_element_type3A, %cond3A : i32
    scf.if %cond3A_7 {
      "tpu.region"() ({
        %run_scoped3A = tpu.sem_alloc : memref<!tpu.dma_semaphore, #tpu.memory_space<semaphore_mem>>
        %dma_start3A = arith.constant 0 : i32
        %dma_start3A_59 = arith.constant 0 : i32
        %dma_start3A_60 = tpu.memref_slice %arg9[%dma_start3A, %dma_start3A_59] : memref<128x128xf32, #tpu.memory_space<vmem>> -> memref<32x128xf32, #tpu.memory_space<vmem>>
        %dma_start3A_61 = arith.constant 9984 : i32
        %dma_start3A_62 = arith.constant 0 : i32
        %dma_start3A_63 = tpu.memref_slice %arg11[%dma_start3A_61, %dma_start3A_62] : memref<10016x128xf32, #tpu.memory_space<vmem_shared>> -> memref<32x128xf32, #tpu.memory_space<vmem_shared>>
        %dma_start3A_64 = arith.constant 9984 : i32
        %dma_start3A_65 = arith.constant 0 : i32
        %dma_start3A_66 = tpu.memref_slice %arg11[%dma_start3A_64, %dma_start3A_65] : memref<10016x128xf32, #tpu.memory_space<vmem_shared>> -> memref<32x128xf32, #tpu.memory_space<vmem_shared>>
        %dma_start3A_67 = arith.constant 0 : i32
        %dma_start3A_68 = arith.constant 0 : i32
        %dma_start3A_69 = tpu.memref_slice %arg9[%dma_start3A_67, %dma_start3A_68] : memref<128x128xf32, #tpu.memory_space<vmem>> -> memref<32x128xf32, #tpu.memory_space<vmem>>
        tpu.enqueue_dma source(%dma_start3A_69 : memref<32x128xf32, #tpu.memory_space<vmem>>) target(%dma_start3A_66 : memref<32x128xf32, #tpu.memory_space<vmem_shared>>) target_semaphore(%run_scoped3A : memref<!tpu.dma_semaphore, #tpu.memory_space<semaphore_mem>>)
        %dma_wait3A_70 = arith.constant 0 : i32
        %dma_wait3A_71 = arith.constant 0 : i32
        %dma_wait3A_72 = tpu.memref_slice %arg9[%dma_wait3A_70, %dma_wait3A_71] : memref<128x128xf32, #tpu.memory_space<vmem>> -> memref<32x128xf32, #tpu.memory_space<vmem>>
        %dma_wait3A_73 = arith.constant 9984 : i32
        %dma_wait3A_74 = arith.constant 0 : i32
        %dma_wait3A_75 = tpu.memref_slice %arg11[%dma_wait3A_73, %dma_wait3A_74] : memref<10016x128xf32, #tpu.memory_space<vmem_shared>> -> memref<32x128xf32, #tpu.memory_space<vmem_shared>>
        %dma_wait3A_76 = arith.constant 9984 : i32
        %dma_wait3A_77 = arith.constant 0 : i32
        %dma_wait3A_78 = tpu.memref_slice %arg11[%dma_wait3A_76, %dma_wait3A_77] : memref<10016x128xf32, #tpu.memory_space<vmem_shared>> -> memref<32x128xf32, #tpu.memory_space<vmem_shared>>
        %dma_wait3A_79 = arith.constant 0 : i32
        %dma_wait3A_80 = arith.constant 0 : i32
        %dma_wait3A_81 = tpu.memref_slice %arg9[%dma_wait3A_79, %dma_wait3A_80] : memref<128x128xf32, #tpu.memory_space<vmem>> -> memref<32x128xf32, #tpu.memory_space<vmem>>
        tpu.wait_dma2 semaphore(%run_scoped3A : memref<!tpu.dma_semaphore, #tpu.memory_space<semaphore_mem>>) src(%dma_wait3A_81 : memref<32x128xf32, #tpu.memory_space<vmem>>) dst(%dma_wait3A_78 : memref<32x128xf32, #tpu.memory_space<vmem_shared>>)
        tpu.yield
      }) : () -> ()
    } else {
    }
    %barrier3A = arith.constant 0 : index
    tpu.barrier barrier_id(%barrier3A)
    %mul3A_8 = arith.constant 80 : i32
    %mul3A_9 = arith.muli %arg1, %mul3A_8 : i32
    %add3A_10 = arith.constant 0 : i32
    %add3A_11 = arith.addi %mul3A_9, %add3A_10 : i32
    "tpu.region"() ({
      %run_scoped3A = tpu.sem_alloc : memref<!tpu.dma_semaphore, #tpu.memory_space<semaphore_mem>>
      %dma_start3A = arith.constant 0 : i32
      %dma_start3A_59 = arith.constant 0 : i32
      %dma_start3A_60 = tpu.memref_slice %arg2[%arg0, %dma_start3A, %dma_start3A_59] : memref<2x1280x128xi32, #tpu.memory_space<hbm>> -> memref<1x1280x128xi32, #tpu.memory_space<hbm>>
      %dma_start3A_61 = tpu.memref_squeeze %dma_start3A_60 : memref<1x1280x128xi32, #tpu.memory_space<hbm>> -> memref<1280x128xi32, #tpu.memory_space<hbm>>
      %dma_start3A_62 = arith.constant 0 : i32
      %dma_start3A_63 = tpu.memref_slice %dma_start3A_61[%add3A_11, %dma_start3A_62] : memref<1280x128xi32, #tpu.memory_space<hbm>> -> memref<40x128xi32, #tpu.memory_space<hbm>>
      %dma_start3A_64 = arith.constant 0 : i32
      %dma_start3A_65 = arith.constant 0 : i32
      %dma_start3A_66 = tpu.memref_slice %arg2[%arg0, %dma_start3A_64, %dma_start3A_65] : memref<2x1280x128xi32, #tpu.memory_space<hbm>> -> memref<1x1280x128xi32, #tpu.memory_space<hbm>>
      %dma_start3A_67 = tpu.memref_squeeze %dma_start3A_66 : memref<1x1280x128xi32, #tpu.memory_space<hbm>> -> memref<1280x128xi32, #tpu.memory_space<hbm>>
      %dma_start3A_68 = arith.constant 0 : i32
      %dma_start3A_69 = tpu.memref_slice %dma_start3A_67[%add3A_11, %dma_start3A_68] : memref<1280x128xi32, #tpu.memory_space<hbm>> -> memref<40x128xi32, #tpu.memory_space<hbm>>
      tpu.enqueue_dma source(%dma_start3A_69 : memref<40x128xi32, #tpu.memory_space<hbm>>) target(%arg7 : memref<40x128xi32, #tpu.memory_space<vmem>>) target_semaphore(%run_scoped3A : memref<!tpu.dma_semaphore, #tpu.memory_space<semaphore_mem>>)
      %dma_wait3A_70 = arith.constant 0 : i32
      %dma_wait3A_71 = arith.constant 0 : i32
      %dma_wait3A_72 = tpu.memref_slice %arg2[%arg0, %dma_wait3A_70, %dma_wait3A_71] : memref<2x1280x128xi32, #tpu.memory_space<hbm>> -> memref<1x1280x128xi32, #tpu.memory_space<hbm>>
      %dma_wait3A_73 = tpu.memref_squeeze %dma_wait3A_72 : memref<1x1280x128xi32, #tpu.memory_space<hbm>> -> memref<1280x128xi32, #tpu.memory_space<hbm>>
      %dma_wait3A_74 = arith.constant 0 : i32
      %dma_wait3A_75 = tpu.memref_slice %dma_wait3A_73[%add3A_11, %dma_wait3A_74] : memref<1280x128xi32, #tpu.memory_space<hbm>> -> memref<40x128xi32, #tpu.memory_space<hbm>>
      %dma_wait3A_76 = arith.constant 0 : i32
      %dma_wait3A_77 = arith.constant 0 : i32
      %dma_wait3A_78 = tpu.memref_slice %arg2[%arg0, %dma_wait3A_76, %dma_wait3A_77] : memref<2x1280x128xi32, #tpu.memory_space<hbm>> -> memref<1x1280x128xi32, #tpu.memory_space<hbm>>
      %dma_wait3A_79 = tpu.memref_squeeze %dma_wait3A_78 : memref<1x1280x128xi32, #tpu.memory_space<hbm>> -> memref<1280x128xi32, #tpu.memory_space<hbm>>
      %dma_wait3A_80 = arith.constant 0 : i32
      %dma_wait3A_81 = tpu.memref_slice %dma_wait3A_79[%add3A_11, %dma_wait3A_80] : memref<1280x128xi32, #tpu.memory_space<hbm>> -> memref<40x128xi32, #tpu.memory_space<hbm>>
      tpu.wait_dma2 semaphore(%run_scoped3A : memref<!tpu.dma_semaphore, #tpu.memory_space<semaphore_mem>>) src(%dma_wait3A_81 : memref<40x128xi32, #tpu.memory_space<hbm>>) dst(%arg7 : memref<40x128xi32, #tpu.memory_space<vmem>>)
      tpu.yield
    }) : () -> ()
    "tpu.region"() ({
      %run_scoped3A = tpu.sem_alloc : memref<!tpu.dma_semaphore, #tpu.memory_space<semaphore_mem>>
      %dma_start3A = arith.constant 0 : i32
      %dma_start3A_59 = tpu.memref_slice %arg3[%add3A_11, %dma_start3A] : memref<1280x128xi32, #tpu.memory_space<hbm>> -> memref<40x128xi32, #tpu.memory_space<hbm>>
      %dma_start3A_60 = arith.constant 0 : i32
      %dma_start3A_61 = tpu.memref_slice %arg3[%add3A_11, %dma_start3A_60] : memref<1280x128xi32, #tpu.memory_space<hbm>> -> memref<40x128xi32, #tpu.memory_space<hbm>>
      tpu.enqueue_dma source(%dma_start3A_61 : memref<40x128xi32, #tpu.memory_space<hbm>>) target(%arg8 : memref<40x128xi32, #tpu.memory_space<vmem>>) target_semaphore(%run_scoped3A : memref<!tpu.dma_semaphore, #tpu.memory_space<semaphore_mem>>)
      %dma_wait3A_62 = arith.constant 0 : i32
      %dma_wait3A_63 = tpu.memref_slice %arg3[%add3A_11, %dma_wait3A_62] : memref<1280x128xi32, #tpu.memory_space<hbm>> -> memref<40x128xi32, #tpu.memory_space<hbm>>
      %dma_wait3A_64 = arith.constant 0 : i32
      %dma_wait3A_65 = tpu.memref_slice %arg3[%add3A_11, %dma_wait3A_64] : memref<1280x128xi32, #tpu.memory_space<hbm>> -> memref<40x128xi32, #tpu.memory_space<hbm>>
      tpu.wait_dma2 semaphore(%run_scoped3A : memref<!tpu.dma_semaphore, #tpu.memory_space<semaphore_mem>>) src(%dma_wait3A_65 : memref<40x128xi32, #tpu.memory_space<hbm>>) dst(%arg8 : memref<40x128xi32, #tpu.memory_space<vmem>>)
      tpu.yield
    }) : () -> ()
    %scan3A_12 = arith.constant 0 : i32
    %scan3A_13 = arith.constant 20 : i32
    %scan3A_14 = arith.addi %scan3A_12, %scan3A_13 : i32
    %scan3A_15 = arith.constant 1 : i32
    scf.for %scan3A_59 = %scan3A_12 to %scan3A_14 step %scan3A_15  : i32 {
      %mul3A_60 = arith.constant 1 : i32
      %mul3A_61 = arith.muli %scan3A_59, %mul3A_60 : i32
      %add3A_62 = arith.constant 0 : i32
      %add3A_63 = arith.addi %add3A_62, %mul3A_61 : i32
      %mul3A_64 = arith.constant 2 : i32
      %mul3A_65 = arith.muli %mul3A_64, %add3A_63 : i32
      %gt3A = arith.constant 0 : i32
      %gt3A_66 = arith.cmpi sgt, %add3A_63, %gt3A : i32
      %convert_element_type3A_67 = arith.extui %gt3A_66 : i1 to i32
      %cond3A_68 = arith.constant 0 : i32
      %cond3A_69 = arith.cmpi ne, %convert_element_type3A_67, %cond3A_68 : i32
      scf.if %cond3A_69 {
        %sub3A = arith.constant 2 : i32
        %sub3A_114 = arith.subi %mul3A_65, %sub3A : i32
        %dma_wait3A_115 = arith.constant 0 : i32
        %dma_wait3A_116 = tpu.memref_slice %arg8[%sub3A_114, %dma_wait3A_115] : memref<40x128xi32, #tpu.memory_space<vmem>> -> memref<1x128xi32, #tpu.memory_space<vmem>>
        %dma_wait3A_117 = tpu.memref_squeeze %dma_wait3A_116 : memref<1x128xi32, #tpu.memory_space<vmem>> -> memref<128xi32, #tpu.memory_space<vmem>>
        %dma_wait3A_118 = arith.constant 0 : i32
        %dma_wait3A_119 = arith.constant 0 : i32
        %dma_wait3A_120 = tpu.memref_slice %arg11[%dma_wait3A_118, %dma_wait3A_119] : memref<10016x128xf32, #tpu.memory_space<vmem_shared>> -> memref<10016x128xf32, #tpu.memory_space<vmem_shared>>
        tpu.wait_indirect_dma semaphore(%arg14 : memref<!tpu.dma_semaphore, #tpu.memory_space<semaphore_mem>>) src(%arg9 : memref<128x128xf32, #tpu.memory_space<vmem>>) dst(%dma_wait3A_120 : memref<10016x128xf32, #tpu.memory_space<vmem_shared>>)
      } else {
      }
      %dma_start3A = arith.constant 0 : i32
      %dma_start3A_70 = tpu.memref_slice %arg7[%mul3A_65, %dma_start3A] : memref<40x128xi32, #tpu.memory_space<vmem>> -> memref<1x128xi32, #tpu.memory_space<vmem>>
      %dma_start3A_71 = tpu.memref_squeeze %dma_start3A_70 : memref<1x128xi32, #tpu.memory_space<vmem>> -> memref<128xi32, #tpu.memory_space<vmem>>
      %dma_start3A_72 = arith.constant 0 : i32
      %dma_start3A_73 = arith.constant 0 : i32
      %dma_start3A_74 = tpu.memref_slice %arg4[%dma_start3A_72, %dma_start3A_73] : memref<20000x128xf32, #tpu.memory_space<hbm>> -> memref<20000x128xf32, #tpu.memory_space<hbm>>
      tpu.enqueue_indirect_dma source(%dma_start3A_74 : memref<20000x128xf32, #tpu.memory_space<hbm>>) target(%arg9 : memref<128x128xf32, #tpu.memory_space<vmem>>) offsets(%dma_start3A_71 : memref<128xi32, #tpu.memory_space<vmem>>) semaphore(%arg12 : memref<!tpu.dma_semaphore, #tpu.memory_space<semaphore_mem>>)
      %dma_wait3A_75 = arith.constant 0 : i32
      %dma_wait3A_76 = tpu.memref_slice %arg7[%mul3A_65, %dma_wait3A_75] : memref<40x128xi32, #tpu.memory_space<vmem>> -> memref<1x128xi32, #tpu.memory_space<vmem>>
      %dma_wait3A_77 = tpu.memref_squeeze %dma_wait3A_76 : memref<1x128xi32, #tpu.memory_space<vmem>> -> memref<128xi32, #tpu.memory_space<vmem>>
      %dma_wait3A_78 = arith.constant 0 : i32
      %dma_wait3A_79 = arith.constant 0 : i32
      %dma_wait3A_80 = tpu.memref_slice %arg4[%dma_wait3A_78, %dma_wait3A_79] : memref<20000x128xf32, #tpu.memory_space<hbm>> -> memref<20000x128xf32, #tpu.memory_space<hbm>>
      tpu.wait_indirect_dma semaphore(%arg12 : memref<!tpu.dma_semaphore, #tpu.memory_space<semaphore_mem>>) src(%dma_wait3A_80 : memref<20000x128xf32, #tpu.memory_space<hbm>>) dst(%arg9 : memref<128x128xf32, #tpu.memory_space<vmem>>)
      %dma_start3A_81 = arith.constant 0 : i32
      %dma_start3A_82 = tpu.memref_slice %arg8[%mul3A_65, %dma_start3A_81] : memref<40x128xi32, #tpu.memory_space<vmem>> -> memref<1x128xi32, #tpu.memory_space<vmem>>
      %dma_start3A_83 = tpu.memref_squeeze %dma_start3A_82 : memref<1x128xi32, #tpu.memory_space<vmem>> -> memref<128xi32, #tpu.memory_space<vmem>>
      %dma_start3A_84 = arith.constant 0 : i32
      %dma_start3A_85 = arith.constant 0 : i32
      %dma_start3A_86 = tpu.memref_slice %arg11[%dma_start3A_84, %dma_start3A_85] : memref<10016x128xf32, #tpu.memory_space<vmem_shared>> -> memref<10016x128xf32, #tpu.memory_space<vmem_shared>>
      tpu.enqueue_indirect_dma source(%arg9 : memref<128x128xf32, #tpu.memory_space<vmem>>) target(%dma_start3A_86 : memref<10016x128xf32, #tpu.memory_space<vmem_shared>>) offsets(%dma_start3A_83 : memref<128xi32, #tpu.memory_space<vmem>>) semaphore(%arg14 : memref<!tpu.dma_semaphore, #tpu.memory_space<semaphore_mem>>) {add = true}
      %gt3A_87 = arith.constant 0 : i32
      %gt3A_88 = arith.cmpi sgt, %add3A_63, %gt3A_87 : i32
      %convert_element_type3A_89 = arith.extui %gt3A_88 : i1 to i32
      %cond3A_90 = arith.constant 0 : i32
      %cond3A_91 = arith.cmpi ne, %convert_element_type3A_89, %cond3A_90 : i32
      scf.if %cond3A_91 {
        %sub3A = arith.constant 1 : i32
        %sub3A_114 = arith.subi %mul3A_65, %sub3A : i32
        %dma_wait3A_115 = arith.constant 0 : i32
        %dma_wait3A_116 = tpu.memref_slice %arg8[%sub3A_114, %dma_wait3A_115] : memref<40x128xi32, #tpu.memory_space<vmem>> -> memref<1x128xi32, #tpu.memory_space<vmem>>
        %dma_wait3A_117 = tpu.memref_squeeze %dma_wait3A_116 : memref<1x128xi32, #tpu.memory_space<vmem>> -> memref<128xi32, #tpu.memory_space<vmem>>
        %dma_wait3A_118 = arith.constant 0 : i32
        %dma_wait3A_119 = arith.constant 0 : i32
        %dma_wait3A_120 = tpu.memref_slice %arg11[%dma_wait3A_118, %dma_wait3A_119] : memref<10016x128xf32, #tpu.memory_space<vmem_shared>> -> memref<10016x128xf32, #tpu.memory_space<vmem_shared>>
        tpu.wait_indirect_dma semaphore(%arg15 : memref<!tpu.dma_semaphore, #tpu.memory_space<semaphore_mem>>) src(%arg10 : memref<128x128xf32, #tpu.memory_space<vmem>>) dst(%dma_wait3A_120 : memref<10016x128xf32, #tpu.memory_space<vmem_shared>>)
      } else {
      }
      %add3A_92 = arith.constant 1 : i32
      %add3A_93 = arith.addi %mul3A_65, %add3A_92 : i32
      %dma_start3A_94 = arith.constant 0 : i32
      %dma_start3A_95 = tpu.memref_slice %arg7[%add3A_93, %dma_start3A_94] : memref<40x128xi32, #tpu.memory_space<vmem>> -> memref<1x128xi32, #tpu.memory_space<vmem>>
      %dma_start3A_96 = tpu.memref_squeeze %dma_start3A_95 : memref<1x128xi32, #tpu.memory_space<vmem>> -> memref<128xi32, #tpu.memory_space<vmem>>
      %dma_start3A_97 = arith.constant 0 : i32
      %dma_start3A_98 = arith.constant 0 : i32
      %dma_start3A_99 = tpu.memref_slice %arg4[%dma_start3A_97, %dma_start3A_98] : memref<20000x128xf32, #tpu.memory_space<hbm>> -> memref<20000x128xf32, #tpu.memory_space<hbm>>
      tpu.enqueue_indirect_dma source(%dma_start3A_99 : memref<20000x128xf32, #tpu.memory_space<hbm>>) target(%arg10 : memref<128x128xf32, #tpu.memory_space<vmem>>) offsets(%dma_start3A_96 : memref<128xi32, #tpu.memory_space<vmem>>) semaphore(%arg13 : memref<!tpu.dma_semaphore, #tpu.memory_space<semaphore_mem>>)
      %dma_wait3A_100 = arith.constant 0 : i32
      %dma_wait3A_101 = tpu.memref_slice %arg7[%add3A_93, %dma_wait3A_100] : memref<40x128xi32, #tpu.memory_space<vmem>> -> memref<1x128xi32, #tpu.memory_space<vmem>>
      %dma_wait3A_102 = tpu.memref_squeeze %dma_wait3A_101 : memref<1x128xi32, #tpu.memory_space<vmem>> -> memref<128xi32, #tpu.memory_space<vmem>>
      %dma_wait3A_103 = arith.constant 0 : i32
      %dma_wait3A_104 = arith.constant 0 : i32
      %dma_wait3A_105 = tpu.memref_slice %arg4[%dma_wait3A_103, %dma_wait3A_104] : memref<20000x128xf32, #tpu.memory_space<hbm>> -> memref<20000x128xf32, #tpu.memory_space<hbm>>
      tpu.wait_indirect_dma semaphore(%arg13 : memref<!tpu.dma_semaphore, #tpu.memory_space<semaphore_mem>>) src(%dma_wait3A_105 : memref<20000x128xf32, #tpu.memory_space<hbm>>) dst(%arg10 : memref<128x128xf32, #tpu.memory_space<vmem>>)
      %add3A_106 = arith.constant 1 : i32
      %add3A_107 = arith.addi %mul3A_65, %add3A_106 : i32
      %dma_start3A_108 = arith.constant 0 : i32
      %dma_start3A_109 = tpu.memref_slice %arg8[%add3A_107, %dma_start3A_108] : memref<40x128xi32, #tpu.memory_space<vmem>> -> memref<1x128xi32, #tpu.memory_space<vmem>>
      %dma_start3A_110 = tpu.memref_squeeze %dma_start3A_109 : memref<1x128xi32, #tpu.memory_space<vmem>> -> memref<128xi32, #tpu.memory_space<vmem>>
      %dma_start3A_111 = arith.constant 0 : i32
      %dma_start3A_112 = arith.constant 0 : i32
      %dma_start3A_113 = tpu.memref_slice %arg11[%dma_start3A_111, %dma_start3A_112] : memref<10016x128xf32, #tpu.memory_space<vmem_shared>> -> memref<10016x128xf32, #tpu.memory_space<vmem_shared>>
      tpu.enqueue_indirect_dma source(%arg10 : memref<128x128xf32, #tpu.memory_space<vmem>>) target(%dma_start3A_113 : memref<10016x128xf32, #tpu.memory_space<vmem_shared>>) offsets(%dma_start3A_110 : memref<128xi32, #tpu.memory_space<vmem>>) semaphore(%arg15 : memref<!tpu.dma_semaphore, #tpu.memory_space<semaphore_mem>>) {add = true}
    }
    %scan3A_16 = arith.constant 20 : i32
    %dma_wait3A = arith.constant 38 : i32
    %dma_wait3A_17 = arith.constant 0 : i32
    %dma_wait3A_18 = tpu.memref_slice %arg8[%dma_wait3A, %dma_wait3A_17] : memref<40x128xi32, #tpu.memory_space<vmem>> -> memref<1x128xi32, #tpu.memory_space<vmem>>
    %dma_wait3A_19 = tpu.memref_squeeze %dma_wait3A_18 : memref<1x128xi32, #tpu.memory_space<vmem>> -> memref<128xi32, #tpu.memory_space<vmem>>
    %dma_wait3A_20 = arith.constant 0 : i32
    %dma_wait3A_21 = arith.constant 0 : i32
    %dma_wait3A_22 = tpu.memref_slice %arg11[%dma_wait3A_20, %dma_wait3A_21] : memref<10016x128xf32, #tpu.memory_space<vmem_shared>> -> memref<10016x128xf32, #tpu.memory_space<vmem_shared>>
    tpu.wait_indirect_dma semaphore(%arg14 : memref<!tpu.dma_semaphore, #tpu.memory_space<semaphore_mem>>) src(%arg9 : memref<128x128xf32, #tpu.memory_space<vmem>>) dst(%dma_wait3A_22 : memref<10016x128xf32, #tpu.memory_space<vmem_shared>>)
    %dma_wait3A_23 = arith.constant 39 : i32
    %dma_wait3A_24 = arith.constant 0 : i32
    %dma_wait3A_25 = tpu.memref_slice %arg8[%dma_wait3A_23, %dma_wait3A_24] : memref<40x128xi32, #tpu.memory_space<vmem>> -> memref<1x128xi32, #tpu.memory_space<vmem>>
    %dma_wait3A_26 = tpu.memref_squeeze %dma_wait3A_25 : memref<1x128xi32, #tpu.memory_space<vmem>> -> memref<128xi32, #tpu.memory_space<vmem>>
    %dma_wait3A_27 = arith.constant 0 : i32
    %dma_wait3A_28 = arith.constant 0 : i32
    %dma_wait3A_29 = tpu.memref_slice %arg11[%dma_wait3A_27, %dma_wait3A_28] : memref<10016x128xf32, #tpu.memory_space<vmem_shared>> -> memref<10016x128xf32, #tpu.memory_space<vmem_shared>>
    tpu.wait_indirect_dma semaphore(%arg15 : memref<!tpu.dma_semaphore, #tpu.memory_space<semaphore_mem>>) src(%arg10 : memref<128x128xf32, #tpu.memory_space<vmem>>) dst(%dma_wait3A_29 : memref<10016x128xf32, #tpu.memory_space<vmem_shared>>)
    %add3A_30 = arith.constant 40 : i32
    %add3A_31 = arith.addi %mul3A_9, %add3A_30 : i32
    "tpu.region"() ({
      %run_scoped3A = tpu.sem_alloc : memref<!tpu.dma_semaphore, #tpu.memory_space<semaphore_mem>>
      %dma_start3A = arith.constant 0 : i32
      %dma_start3A_59 = arith.constant 0 : i32
      %dma_start3A_60 = tpu.memref_slice %arg2[%arg0, %dma_start3A, %dma_start3A_59] : memref<2x1280x128xi32, #tpu.memory_space<hbm>> -> memref<1x1280x128xi32, #tpu.memory_space<hbm>>
      %dma_start3A_61 = tpu.memref_squeeze %dma_start3A_60 : memref<1x1280x128xi32, #tpu.memory_space<hbm>> -> memref<1280x128xi32, #tpu.memory_space<hbm>>
      %dma_start3A_62 = arith.constant 0 : i32
      %dma_start3A_63 = tpu.memref_slice %dma_start3A_61[%add3A_31, %dma_start3A_62] : memref<1280x128xi32, #tpu.memory_space<hbm>> -> memref<40x128xi32, #tpu.memory_space<hbm>>
      %dma_start3A_64 = arith.constant 0 : i32
      %dma_start3A_65 = arith.constant 0 : i32
      %dma_start3A_66 = tpu.memref_slice %arg2[%arg0, %dma_start3A_64, %dma_start3A_65] : memref<2x1280x128xi32, #tpu.memory_space<hbm>> -> memref<1x1280x128xi32, #tpu.memory_space<hbm>>
      %dma_start3A_67 = tpu.memref_squeeze %dma_start3A_66 : memref<1x1280x128xi32, #tpu.memory_space<hbm>> -> memref<1280x128xi32, #tpu.memory_space<hbm>>
      %dma_start3A_68 = arith.constant 0 : i32
      %dma_start3A_69 = tpu.memref_slice %dma_start3A_67[%add3A_31, %dma_start3A_68] : memref<1280x128xi32, #tpu.memory_space<hbm>> -> memref<40x128xi32, #tpu.memory_space<hbm>>
      tpu.enqueue_dma source(%dma_start3A_69 : memref<40x128xi32, #tpu.memory_space<hbm>>) target(%arg7 : memref<40x128xi32, #tpu.memory_space<vmem>>) target_semaphore(%run_scoped3A : memref<!tpu.dma_semaphore, #tpu.memory_space<semaphore_mem>>)
      %dma_wait3A_70 = arith.constant 0 : i32
      %dma_wait3A_71 = arith.constant 0 : i32
      %dma_wait3A_72 = tpu.memref_slice %arg2[%arg0, %dma_wait3A_70, %dma_wait3A_71] : memref<2x1280x128xi32, #tpu.memory_space<hbm>> -> memref<1x1280x128xi32, #tpu.memory_space<hbm>>
      %dma_wait3A_73 = tpu.memref_squeeze %dma_wait3A_72 : memref<1x1280x128xi32, #tpu.memory_space<hbm>> -> memref<1280x128xi32, #tpu.memory_space<hbm>>
      %dma_wait3A_74 = arith.constant 0 : i32
      %dma_wait3A_75 = tpu.memref_slice %dma_wait3A_73[%add3A_31, %dma_wait3A_74] : memref<1280x128xi32, #tpu.memory_space<hbm>> -> memref<40x128xi32, #tpu.memory_space<hbm>>
      %dma_wait3A_76 = arith.constant 0 : i32
      %dma_wait3A_77 = arith.constant 0 : i32
      %dma_wait3A_78 = tpu.memref_slice %arg2[%arg0, %dma_wait3A_76, %dma_wait3A_77] : memref<2x1280x128xi32, #tpu.memory_space<hbm>> -> memref<1x1280x128xi32, #tpu.memory_space<hbm>>
      %dma_wait3A_79 = tpu.memref_squeeze %dma_wait3A_78 : memref<1x1280x128xi32, #tpu.memory_space<hbm>> -> memref<1280x128xi32, #tpu.memory_space<hbm>>
      %dma_wait3A_80 = arith.constant 0 : i32
      %dma_wait3A_81 = tpu.memref_slice %dma_wait3A_79[%add3A_31, %dma_wait3A_80] : memref<1280x128xi32, #tpu.memory_space<hbm>> -> memref<40x128xi32, #tpu.memory_space<hbm>>
      tpu.wait_dma2 semaphore(%run_scoped3A : memref<!tpu.dma_semaphore, #tpu.memory_space<semaphore_mem>>) src(%dma_wait3A_81 : memref<40x128xi32, #tpu.memory_space<hbm>>) dst(%arg7 : memref<40x128xi32, #tpu.memory_space<vmem>>)
      tpu.yield
    }) : () -> ()
    "tpu.region"() ({
      %run_scoped3A = tpu.sem_alloc : memref<!tpu.dma_semaphore, #tpu.memory_space<semaphore_mem>>
      %dma_start3A = arith.constant 0 : i32
      %dma_start3A_59 = tpu.memref_slice %arg3[%add3A_31, %dma_start3A] : memref<1280x128xi32, #tpu.memory_space<hbm>> -> memref<40x128xi32, #tpu.memory_space<hbm>>
      %dma_start3A_60 = arith.constant 0 : i32
      %dma_start3A_61 = tpu.memref_slice %arg3[%add3A_31, %dma_start3A_60] : memref<1280x128xi32, #tpu.memory_space<hbm>> -> memref<40x128xi32, #tpu.memory_space<hbm>>
      tpu.enqueue_dma source(%dma_start3A_61 : memref<40x128xi32, #tpu.memory_space<hbm>>) target(%arg8 : memref<40x128xi32, #tpu.memory_space<vmem>>) target_semaphore(%run_scoped3A : memref<!tpu.dma_semaphore, #tpu.memory_space<semaphore_mem>>)
      %dma_wait3A_62 = arith.constant 0 : i32
      %dma_wait3A_63 = tpu.memref_slice %arg3[%add3A_31, %dma_wait3A_62] : memref<1280x128xi32, #tpu.memory_space<hbm>> -> memref<40x128xi32, #tpu.memory_space<hbm>>
      %dma_wait3A_64 = arith.constant 0 : i32
      %dma_wait3A_65 = tpu.memref_slice %arg3[%add3A_31, %dma_wait3A_64] : memref<1280x128xi32, #tpu.memory_space<hbm>> -> memref<40x128xi32, #tpu.memory_space<hbm>>
      tpu.wait_dma2 semaphore(%run_scoped3A : memref<!tpu.dma_semaphore, #tpu.memory_space<semaphore_mem>>) src(%dma_wait3A_65 : memref<40x128xi32, #tpu.memory_space<hbm>>) dst(%arg8 : memref<40x128xi32, #tpu.memory_space<vmem>>)
      tpu.yield
    }) : () -> ()
    %scan3A_32 = arith.constant 0 : i32
    %scan3A_33 = arith.constant 20 : i32
    %scan3A_34 = arith.addi %scan3A_32, %scan3A_33 : i32
    %scan3A_35 = arith.constant 1 : i32
    scf.for %scan3A_59 = %scan3A_32 to %scan3A_34 step %scan3A_35  : i32 {
      %mul3A_60 = arith.constant 1 : i32
      %mul3A_61 = arith.muli %scan3A_59, %mul3A_60 : i32
      %add3A_62 = arith.constant 0 : i32
      %add3A_63 = arith.addi %add3A_62, %mul3A_61 : i32
      %mul3A_64 = arith.constant 2 : i32
      %mul3A_65 = arith.muli %mul3A_64, %add3A_63 : i32
      %gt3A = arith.constant 0 : i32
      %gt3A_66 = arith.cmpi sgt, %add3A_63, %gt3A : i32
      %convert_element_type3A_67 = arith.extui %gt3A_66 : i1 to i32
      %cond3A_68 = arith.constant 0 : i32
      %cond3A_69 = arith.cmpi ne, %convert_element_type3A_67, %cond3A_68 : i32
      scf.if %cond3A_69 {
        %sub3A = arith.constant 2 : i32
        %sub3A_114 = arith.subi %mul3A_65, %sub3A : i32
        %dma_wait3A_115 = arith.constant 0 : i32
        %dma_wait3A_116 = tpu.memref_slice %arg8[%sub3A_114, %dma_wait3A_115] : memref<40x128xi32, #tpu.memory_space<vmem>> -> memref<1x128xi32, #tpu.memory_space<vmem>>
        %dma_wait3A_117 = tpu.memref_squeeze %dma_wait3A_116 : memref<1x128xi32, #tpu.memory_space<vmem>> -> memref<128xi32, #tpu.memory_space<vmem>>
        %dma_wait3A_118 = arith.constant 0 : i32
        %dma_wait3A_119 = arith.constant 0 : i32
        %dma_wait3A_120 = tpu.memref_slice %arg11[%dma_wait3A_118, %dma_wait3A_119] : memref<10016x128xf32, #tpu.memory_space<vmem_shared>> -> memref<10016x128xf32, #tpu.memory_space<vmem_shared>>
        tpu.wait_indirect_dma semaphore(%arg14 : memref<!tpu.dma_semaphore, #tpu.memory_space<semaphore_mem>>) src(%arg9 : memref<128x128xf32, #tpu.memory_space<vmem>>) dst(%dma_wait3A_120 : memref<10016x128xf32, #tpu.memory_space<vmem_shared>>)
      } else {
      }
      %dma_start3A = arith.constant 0 : i32
      %dma_start3A_70 = tpu.memref_slice %arg7[%mul3A_65, %dma_start3A] : memref<40x128xi32, #tpu.memory_space<vmem>> -> memref<1x128xi32, #tpu.memory_space<vmem>>
      %dma_start3A_71 = tpu.memref_squeeze %dma_start3A_70 : memref<1x128xi32, #tpu.memory_space<vmem>> -> memref<128xi32, #tpu.memory_space<vmem>>
      %dma_start3A_72 = arith.constant 0 : i32
      %dma_start3A_73 = arith.constant 0 : i32
      %dma_start3A_74 = tpu.memref_slice %arg4[%dma_start3A_72, %dma_start3A_73] : memref<20000x128xf32, #tpu.memory_space<hbm>> -> memref<20000x128xf32, #tpu.memory_space<hbm>>
      tpu.enqueue_indirect_dma source(%dma_start3A_74 : memref<20000x128xf32, #tpu.memory_space<hbm>>) target(%arg9 : memref<128x128xf32, #tpu.memory_space<vmem>>) offsets(%dma_start3A_71 : memref<128xi32, #tpu.memory_space<vmem>>) semaphore(%arg12 : memref<!tpu.dma_semaphore, #tpu.memory_space<semaphore_mem>>)
      %dma_wait3A_75 = arith.constant 0 : i32
      %dma_wait3A_76 = tpu.memref_slice %arg7[%mul3A_65, %dma_wait3A_75] : memref<40x128xi32, #tpu.memory_space<vmem>> -> memref<1x128xi32, #tpu.memory_space<vmem>>
      %dma_wait3A_77 = tpu.memref_squeeze %dma_wait3A_76 : memref<1x128xi32, #tpu.memory_space<vmem>> -> memref<128xi32, #tpu.memory_space<vmem>>
      %dma_wait3A_78 = arith.constant 0 : i32
      %dma_wait3A_79 = arith.constant 0 : i32
      %dma_wait3A_80 = tpu.memref_slice %arg4[%dma_wait3A_78, %dma_wait3A_79] : memref<20000x128xf32, #tpu.memory_space<hbm>> -> memref<20000x128xf32, #tpu.memory_space<hbm>>
      tpu.wait_indirect_dma semaphore(%arg12 : memref<!tpu.dma_semaphore, #tpu.memory_space<semaphore_mem>>) src(%dma_wait3A_80 : memref<20000x128xf32, #tpu.memory_space<hbm>>) dst(%arg9 : memref<128x128xf32, #tpu.memory_space<vmem>>)
      %dma_start3A_81 = arith.constant 0 : i32
      %dma_start3A_82 = tpu.memref_slice %arg8[%mul3A_65, %dma_start3A_81] : memref<40x128xi32, #tpu.memory_space<vmem>> -> memref<1x128xi32, #tpu.memory_space<vmem>>
      %dma_start3A_83 = tpu.memref_squeeze %dma_start3A_82 : memref<1x128xi32, #tpu.memory_space<vmem>> -> memref<128xi32, #tpu.memory_space<vmem>>
      %dma_start3A_84 = arith.constant 0 : i32
      %dma_start3A_85 = arith.constant 0 : i32
      %dma_start3A_86 = tpu.memref_slice %arg11[%dma_start3A_84, %dma_start3A_85] : memref<10016x128xf32, #tpu.memory_space<vmem_shared>> -> memref<10016x128xf32, #tpu.memory_space<vmem_shared>>
      tpu.enqueue_indirect_dma source(%arg9 : memref<128x128xf32, #tpu.memory_space<vmem>>) target(%dma_start3A_86 : memref<10016x128xf32, #tpu.memory_space<vmem_shared>>) offsets(%dma_start3A_83 : memref<128xi32, #tpu.memory_space<vmem>>) semaphore(%arg14 : memref<!tpu.dma_semaphore, #tpu.memory_space<semaphore_mem>>) {add = true}
      %gt3A_87 = arith.constant 0 : i32
      %gt3A_88 = arith.cmpi sgt, %add3A_63, %gt3A_87 : i32
      %convert_element_type3A_89 = arith.extui %gt3A_88 : i1 to i32
      %cond3A_90 = arith.constant 0 : i32
      %cond3A_91 = arith.cmpi ne, %convert_element_type3A_89, %cond3A_90 : i32
      scf.if %cond3A_91 {
        %sub3A = arith.constant 1 : i32
        %sub3A_114 = arith.subi %mul3A_65, %sub3A : i32
        %dma_wait3A_115 = arith.constant 0 : i32
        %dma_wait3A_116 = tpu.memref_slice %arg8[%sub3A_114, %dma_wait3A_115] : memref<40x128xi32, #tpu.memory_space<vmem>> -> memref<1x128xi32, #tpu.memory_space<vmem>>
        %dma_wait3A_117 = tpu.memref_squeeze %dma_wait3A_116 : memref<1x128xi32, #tpu.memory_space<vmem>> -> memref<128xi32, #tpu.memory_space<vmem>>
        %dma_wait3A_118 = arith.constant 0 : i32
        %dma_wait3A_119 = arith.constant 0 : i32
        %dma_wait3A_120 = tpu.memref_slice %arg11[%dma_wait3A_118, %dma_wait3A_119] : memref<10016x128xf32, #tpu.memory_space<vmem_shared>> -> memref<10016x128xf32, #tpu.memory_space<vmem_shared>>
        tpu.wait_indirect_dma semaphore(%arg15 : memref<!tpu.dma_semaphore, #tpu.memory_space<semaphore_mem>>) src(%arg10 : memref<128x128xf32, #tpu.memory_space<vmem>>) dst(%dma_wait3A_120 : memref<10016x128xf32, #tpu.memory_space<vmem_shared>>)
      } else {
      }
      %add3A_92 = arith.constant 1 : i32
      %add3A_93 = arith.addi %mul3A_65, %add3A_92 : i32
      %dma_start3A_94 = arith.constant 0 : i32
      %dma_start3A_95 = tpu.memref_slice %arg7[%add3A_93, %dma_start3A_94] : memref<40x128xi32, #tpu.memory_space<vmem>> -> memref<1x128xi32, #tpu.memory_space<vmem>>
      %dma_start3A_96 = tpu.memref_squeeze %dma_start3A_95 : memref<1x128xi32, #tpu.memory_space<vmem>> -> memref<128xi32, #tpu.memory_space<vmem>>
      %dma_start3A_97 = arith.constant 0 : i32
      %dma_start3A_98 = arith.constant 0 : i32
      %dma_start3A_99 = tpu.memref_slice %arg4[%dma_start3A_97, %dma_start3A_98] : memref<20000x128xf32, #tpu.memory_space<hbm>> -> memref<20000x128xf32, #tpu.memory_space<hbm>>
      tpu.enqueue_indirect_dma source(%dma_start3A_99 : memref<20000x128xf32, #tpu.memory_space<hbm>>) target(%arg10 : memref<128x128xf32, #tpu.memory_space<vmem>>) offsets(%dma_start3A_96 : memref<128xi32, #tpu.memory_space<vmem>>) semaphore(%arg13 : memref<!tpu.dma_semaphore, #tpu.memory_space<semaphore_mem>>)
      %dma_wait3A_100 = arith.constant 0 : i32
      %dma_wait3A_101 = tpu.memref_slice %arg7[%add3A_93, %dma_wait3A_100] : memref<40x128xi32, #tpu.memory_space<vmem>> -> memref<1x128xi32, #tpu.memory_space<vmem>>
      %dma_wait3A_102 = tpu.memref_squeeze %dma_wait3A_101 : memref<1x128xi32, #tpu.memory_space<vmem>> -> memref<128xi32, #tpu.memory_space<vmem>>
      %dma_wait3A_103 = arith.constant 0 : i32
      %dma_wait3A_104 = arith.constant 0 : i32
      %dma_wait3A_105 = tpu.memref_slice %arg4[%dma_wait3A_103, %dma_wait3A_104] : memref<20000x128xf32, #tpu.memory_space<hbm>> -> memref<20000x128xf32, #tpu.memory_space<hbm>>
      tpu.wait_indirect_dma semaphore(%arg13 : memref<!tpu.dma_semaphore, #tpu.memory_space<semaphore_mem>>) src(%dma_wait3A_105 : memref<20000x128xf32, #tpu.memory_space<hbm>>) dst(%arg10 : memref<128x128xf32, #tpu.memory_space<vmem>>)
      %add3A_106 = arith.constant 1 : i32
      %add3A_107 = arith.addi %mul3A_65, %add3A_106 : i32
      %dma_start3A_108 = arith.constant 0 : i32
      %dma_start3A_109 = tpu.memref_slice %arg8[%add3A_107, %dma_start3A_108] : memref<40x128xi32, #tpu.memory_space<vmem>> -> memref<1x128xi32, #tpu.memory_space<vmem>>
      %dma_start3A_110 = tpu.memref_squeeze %dma_start3A_109 : memref<1x128xi32, #tpu.memory_space<vmem>> -> memref<128xi32, #tpu.memory_space<vmem>>
      %dma_start3A_111 = arith.constant 0 : i32
      %dma_start3A_112 = arith.constant 0 : i32
      %dma_start3A_113 = tpu.memref_slice %arg11[%dma_start3A_111, %dma_start3A_112] : memref<10016x128xf32, #tpu.memory_space<vmem_shared>> -> memref<10016x128xf32, #tpu.memory_space<vmem_shared>>
      tpu.enqueue_indirect_dma source(%arg10 : memref<128x128xf32, #tpu.memory_space<vmem>>) target(%dma_start3A_113 : memref<10016x128xf32, #tpu.memory_space<vmem_shared>>) offsets(%dma_start3A_110 : memref<128xi32, #tpu.memory_space<vmem>>) semaphore(%arg15 : memref<!tpu.dma_semaphore, #tpu.memory_space<semaphore_mem>>) {add = true}
    }
    %scan3A_36 = arith.constant 20 : i32
    %dma_wait3A_37 = arith.constant 38 : i32
    %dma_wait3A_38 = arith.constant 0 : i32
    %dma_wait3A_39 = tpu.memref_slice %arg8[%dma_wait3A_37, %dma_wait3A_38] : memref<40x128xi32, #tpu.memory_space<vmem>> -> memref<1x128xi32, #tpu.memory_space<vmem>>
    %dma_wait3A_40 = tpu.memref_squeeze %dma_wait3A_39 : memref<1x128xi32, #tpu.memory_space<vmem>> -> memref<128xi32, #tpu.memory_space<vmem>>
    %dma_wait3A_41 = arith.constant 0 : i32
    %dma_wait3A_42 = arith.constant 0 : i32
    %dma_wait3A_43 = tpu.memref_slice %arg11[%dma_wait3A_41, %dma_wait3A_42] : memref<10016x128xf32, #tpu.memory_space<vmem_shared>> -> memref<10016x128xf32, #tpu.memory_space<vmem_shared>>
    tpu.wait_indirect_dma semaphore(%arg14 : memref<!tpu.dma_semaphore, #tpu.memory_space<semaphore_mem>>) src(%arg9 : memref<128x128xf32, #tpu.memory_space<vmem>>) dst(%dma_wait3A_43 : memref<10016x128xf32, #tpu.memory_space<vmem_shared>>)
    %dma_wait3A_44 = arith.constant 39 : i32
    %dma_wait3A_45 = arith.constant 0 : i32
    %dma_wait3A_46 = tpu.memref_slice %arg8[%dma_wait3A_44, %dma_wait3A_45] : memref<40x128xi32, #tpu.memory_space<vmem>> -> memref<1x128xi32, #tpu.memory_space<vmem>>
    %dma_wait3A_47 = tpu.memref_squeeze %dma_wait3A_46 : memref<1x128xi32, #tpu.memory_space<vmem>> -> memref<128xi32, #tpu.memory_space<vmem>>
    %dma_wait3A_48 = arith.constant 0 : i32
    %dma_wait3A_49 = arith.constant 0 : i32
    %dma_wait3A_50 = tpu.memref_slice %arg11[%dma_wait3A_48, %dma_wait3A_49] : memref<10016x128xf32, #tpu.memory_space<vmem_shared>> -> memref<10016x128xf32, #tpu.memory_space<vmem_shared>>
    tpu.wait_indirect_dma semaphore(%arg15 : memref<!tpu.dma_semaphore, #tpu.memory_space<semaphore_mem>>) src(%arg10 : memref<128x128xf32, #tpu.memory_space<vmem>>) dst(%dma_wait3A_50 : memref<10016x128xf32, #tpu.memory_space<vmem_shared>>)
    %barrier3A_51 = arith.constant 0 : index
    tpu.barrier barrier_id(%barrier3A_51)
    %mul3A_52 = arith.constant 624 : i32
    %mul3A_53 = arith.muli %arg1, %mul3A_52 : i32
    "tpu.region"() ({
      %run_scoped3A = tpu.sem_alloc : memref<!tpu.dma_semaphore, #tpu.memory_space<semaphore_mem>>
      %dma_start3A = arith.constant 0 : i32
      %dma_start3A_59 = arith.constant 0 : i32
      %dma_start3A_60 = tpu.memref_slice %arg6[%arg0, %dma_start3A, %dma_start3A_59] : memref<2x10000x128xf32, #tpu.memory_space<hbm>> -> memref<1x10000x128xf32, #tpu.memory_space<hbm>>
      %dma_start3A_61 = tpu.memref_squeeze %dma_start3A_60 : memref<1x10000x128xf32, #tpu.memory_space<hbm>> -> memref<10000x128xf32, #tpu.memory_space<hbm>>
      %dma_start3A_62 = arith.constant 0 : i32
      %dma_start3A_63 = tpu.memref_slice %dma_start3A_61[%mul3A_53, %dma_start3A_62] : memref<10000x128xf32, #tpu.memory_space<hbm>> -> memref<624x128xf32, #tpu.memory_space<hbm>>
      %dma_start3A_64 = arith.constant 0 : i32
      %dma_start3A_65 = tpu.memref_slice %arg11[%mul3A_53, %dma_start3A_64] : memref<10016x128xf32, #tpu.memory_space<vmem_shared>> -> memref<624x128xf32, #tpu.memory_space<vmem_shared>>
      tpu.enqueue_dma source(%dma_start3A_65 : memref<624x128xf32, #tpu.memory_space<vmem_shared>>) target(%dma_start3A_63 : memref<624x128xf32, #tpu.memory_space<hbm>>) target_semaphore(%run_scoped3A : memref<!tpu.dma_semaphore, #tpu.memory_space<semaphore_mem>>)
      %dma_wait3A_66 = arith.constant 0 : i32
      %dma_wait3A_67 = arith.constant 0 : i32
      %dma_wait3A_68 = tpu.memref_slice %arg6[%arg0, %dma_wait3A_66, %dma_wait3A_67] : memref<2x10000x128xf32, #tpu.memory_space<hbm>> -> memref<1x10000x128xf32, #tpu.memory_space<hbm>>
      %dma_wait3A_69 = tpu.memref_squeeze %dma_wait3A_68 : memref<1x10000x128xf32, #tpu.memory_space<hbm>> -> memref<10000x128xf32, #tpu.memory_space<hbm>>
      %dma_wait3A_70 = arith.constant 0 : i32
      %dma_wait3A_71 = tpu.memref_slice %dma_wait3A_69[%mul3A_53, %dma_wait3A_70] : memref<10000x128xf32, #tpu.memory_space<hbm>> -> memref<624x128xf32, #tpu.memory_space<hbm>>
      %dma_wait3A_72 = arith.constant 0 : i32
      %dma_wait3A_73 = tpu.memref_slice %arg11[%mul3A_53, %dma_wait3A_72] : memref<10016x128xf32, #tpu.memory_space<vmem_shared>> -> memref<624x128xf32, #tpu.memory_space<vmem_shared>>
      tpu.wait_dma2 semaphore(%run_scoped3A : memref<!tpu.dma_semaphore, #tpu.memory_space<semaphore_mem>>) src(%dma_wait3A_73 : memref<624x128xf32, #tpu.memory_space<vmem_shared>>) dst(%dma_wait3A_71 : memref<624x128xf32, #tpu.memory_space<hbm>>)
      tpu.yield
    }) : () -> ()
    %eq3A_54 = arith.constant 15 : i32
    %eq3A_55 = arith.cmpi eq, %arg1, %eq3A_54 : i32
    %convert_element_type3A_56 = arith.extui %eq3A_55 : i1 to i32
    %cond3A_57 = arith.constant 0 : i32
    %cond3A_58 = arith.cmpi ne, %convert_element_type3A_56, %cond3A_57 : i32
    scf.if %cond3A_58 {
      "tpu.region"() ({
        %run_scoped3A = tpu.sem_alloc : memref<!tpu.dma_semaphore, #tpu.memory_space<semaphore_mem>>
        %dma_start3A = arith.constant 0 : i32
        %dma_start3A_59 = arith.constant 0 : i32
        %dma_start3A_60 = tpu.memref_slice %arg6[%arg0, %dma_start3A, %dma_start3A_59] : memref<2x10000x128xf32, #tpu.memory_space<hbm>> -> memref<1x10000x128xf32, #tpu.memory_space<hbm>>
        %dma_start3A_61 = tpu.memref_squeeze %dma_start3A_60 : memref<1x10000x128xf32, #tpu.memory_space<hbm>> -> memref<10000x128xf32, #tpu.memory_space<hbm>>
        %dma_start3A_62 = arith.constant 9984 : i32
        %dma_start3A_63 = arith.constant 0 : i32
        %dma_start3A_64 = tpu.memref_slice %dma_start3A_61[%dma_start3A_62, %dma_start3A_63] : memref<10000x128xf32, #tpu.memory_space<hbm>> -> memref<16x128xf32, #tpu.memory_space<hbm>>
        %dma_start3A_65 = arith.constant 9984 : i32
        %dma_start3A_66 = arith.constant 0 : i32
        %dma_start3A_67 = tpu.memref_slice %arg11[%dma_start3A_65, %dma_start3A_66] : memref<10016x128xf32, #tpu.memory_space<vmem_shared>> -> memref<16x128xf32, #tpu.memory_space<vmem_shared>>
        tpu.enqueue_dma source(%dma_start3A_67 : memref<16x128xf32, #tpu.memory_space<vmem_shared>>) target(%dma_start3A_64 : memref<16x128xf32, #tpu.memory_space<hbm>>) target_semaphore(%run_scoped3A : memref<!tpu.dma_semaphore, #tpu.memory_space<semaphore_mem>>)
        %dma_wait3A_68 = arith.constant 0 : i32
        %dma_wait3A_69 = arith.constant 0 : i32
        %dma_wait3A_70 = tpu.memref_slice %arg6[%arg0, %dma_wait3A_68, %dma_wait3A_69] : memref<2x10000x128xf32, #tpu.memory_space<hbm>> -> memref<1x10000x128xf32, #tpu.memory_space<hbm>>
        %dma_wait3A_71 = tpu.memref_squeeze %dma_wait3A_70 : memref<1x10000x128xf32, #tpu.memory_space<hbm>> -> memref<10000x128xf32, #tpu.memory_space<hbm>>
        %dma_wait3A_72 = arith.constant 9984 : i32
        %dma_wait3A_73 = arith.constant 0 : i32
        %dma_wait3A_74 = tpu.memref_slice %dma_wait3A_71[%dma_wait3A_72, %dma_wait3A_73] : memref<10000x128xf32, #tpu.memory_space<hbm>> -> memref<16x128xf32, #tpu.memory_space<hbm>>
        %dma_wait3A_75 = arith.constant 9984 : i32
        %dma_wait3A_76 = arith.constant 0 : i32
        %dma_wait3A_77 = tpu.memref_slice %arg11[%dma_wait3A_75, %dma_wait3A_76] : memref<10016x128xf32, #tpu.memory_space<vmem_shared>> -> memref<16x128xf32, #tpu.memory_space<vmem_shared>>
        tpu.wait_dma2 semaphore(%run_scoped3A : memref<!tpu.dma_semaphore, #tpu.memory_space<semaphore_mem>>) src(%dma_wait3A_77 : memref<16x128xf32, #tpu.memory_space<vmem_shared>>) dst(%dma_wait3A_74 : memref<16x128xf32, #tpu.memory_space<hbm>>)
        tpu.yield
      }) : () -> ()
    } else {
    }
    return
  }
}

module attributes {stable_mosaic.version = 14 : i64} {
  func.func @degsum_body(%arg0: i32, %arg1: memref<2x16x1x10000xi32, #tpu.memory_space<vmem>>, %arg2: memref<1x10000xi32, #tpu.memory_space<vmem>>) attributes {dimension_semantics = [#tpu.dimension_semantics<arbitrary>], iteration_bounds = array<i64: 1>, scalar_prefetch = 0 : i64, scratch_operands = 0 : i64, tpu.core_type = #tpu.core_type<tc>, window_params = [{pipeline_mode = #tpu.pipeline_mode<synchronous>, transform_indices = @transform_0, window_bounds = array<i64: 2, 16, 1, 10000>}, {pipeline_mode = #tpu.pipeline_mode<synchronous>, transform_indices = @transform_1, window_bounds = array<i64: 1, 10000>}]} {
    %get3A = arith.constant 0 : index
    %get3A_0 = arith.constant 0 : index
    %get3A_1 = arith.constant 0 : index
    %get3A_2 = arith.constant 0 : index
    %get3A_3 = vector.load %arg1[%get3A, %get3A_0, %get3A_1, %get3A_2] : memref<2x16x1x10000xi32, #tpu.memory_space<vmem>>, vector<2x16x1x10000xi32>
    %reduce_sum3A = arith.constant dense<0> : vector<1x10000xi32>
    %reduce_sum3A_4 = vector.multi_reduction <add>, %get3A_3, %reduce_sum3A [0, 1] : vector<2x16x1x10000xi32> to vector<1x10000xi32>
    %swap3A = arith.constant 0 : index
    %swap3A_5 = arith.constant 0 : index
    %swap3A_6 = vector.load %arg2[%swap3A, %swap3A_5] : memref<1x10000xi32, #tpu.memory_space<vmem>>, vector<1x10000xi32>
    tpu.vector_store %arg2[%swap3A, %swap3A_5], %reduce_sum3A_4 {strides = array<i32>} : memref<1x10000xi32, #tpu.memory_space<vmem>>, vector<1x10000xi32>,
    return
  }
  func.func @transform_0(%arg0: i32) -> (i32, i32, i32, i32) {
    %c0_i32 = arith.constant 0 : i32
    %c0_i32_0 = arith.constant 0 : i32
    %c0_i32_1 = arith.constant 0 : i32
    %c0_i32_2 = arith.constant 0 : i32
    %c0_i32_3 = arith.constant 0 : i32
    return %c0_i32, %c0_i32_0, %c0_i32_1, %c0_i32_2 : i32, i32, i32, i32
  }
  func.func @transform_1(%arg0: i32) -> (i32, i32) {
    %c0_i32 = arith.constant 0 : i32
    %c0_i32_0 = arith.constant 0 : i32
    %c0_i32_1 = arith.constant 0 : i32
    return %c0_i32, %c0_i32_0 : i32, i32
  }
}

module attributes {stable_mosaic.version = 14 : i64} {
  func.func @mm_body(%arg0: i32, %arg1: i32, %arg2: memref<2000x256xf32, #tpu.memory_space<vmem>>, %arg3: memref<256x128xf32, #tpu.memory_space<vmem>>, %arg4: memref<2000x1xi32, #tpu.memory_space<vmem>>, %arg5: memref<2000x128xf32, #tpu.memory_space<vmem>>) attributes {dimension_semantics = [#tpu.dimension_semantics<arbitrary>, #tpu.dimension_semantics<arbitrary>], iteration_bounds = array<i64: 5, 2>, scalar_prefetch = 0 : i64, scratch_operands = 0 : i64, tpu.core_type = #tpu.core_type<tc>, window_params = [{transform_indices = @transform_0, window_bounds = array<i64: 2000, 256>}, {transform_indices = @transform_1, window_bounds = array<i64: 256, 128>}, {transform_indices = @transform_2, window_bounds = array<i64: 2000, 1>}, {transform_indices = @transform_3, window_bounds = array<i64: 2000, 128>}]} {
    %get3A = arith.constant 0 : index
    %get3A_0 = arith.constant 0 : index
    %get3A_1 = vector.load %arg4[%get3A, %get3A_0] : memref<2000x1xi32, #tpu.memory_space<vmem>>, vector<2000x1xi32>
    %convert_element_type3A = arith.sitofp %get3A_1 : vector<2000x1xi32> to vector<2000x1xf32>
    %add3A = arith.constant 1.000000e+00 : f32
    %add3A_2 = vector.broadcast %add3A : f32 to vector<2000x1xf32>
    %add3A_3 = arith.addf %convert_element_type3A, %add3A_2 : vector<2000x1xf32>
    %rsqrt3A = math.rsqrt %add3A_3 : vector<2000x1xf32>
    %get3A_4 = arith.constant 0 : index
    %get3A_5 = arith.constant 0 : index
    %get3A_6 = vector.load %arg2[%get3A_4, %get3A_5] : memref<2000x256xf32, #tpu.memory_space<vmem>>, vector<2000x256xf32>
    %get3A_7 = arith.constant 0 : index
    %get3A_8 = arith.constant 0 : index
    %get3A_9 = vector.load %arg3[%get3A_7, %get3A_8] : memref<256x128xf32, #tpu.memory_space<vmem>>, vector<256x128xf32>
    %dot_general3A = arith.constant dense<0.000000e+00> : vector<2000x128xf32>
    %dot_general3A_10 = tpu.matmul %get3A_6, %get3A_9, %dot_general3A {dimension_numbers = #tpu.dot_dimension_numbers<[1], [0], [0], [1], [0, 0, 1, 1], [], []>, transpose_lhs_hint = false} : vector<2000x256xf32>, vector<256x128xf32>, vector<2000x128xf32> -> vector<2000x128xf32>
    %mul3A = vector.broadcast %rsqrt3A : vector<2000x1xf32> to vector<2000x128xf32>
    %mul3A_11 = arith.mulf %dot_general3A_10, %mul3A : vector<2000x128xf32>
    %swap3A = arith.constant 0 : index
    %swap3A_12 = arith.constant 0 : index
    %swap3A_13 = vector.load %arg5[%swap3A, %swap3A_12] : memref<2000x128xf32, #tpu.memory_space<vmem>>, vector<2000x128xf32>
    tpu.vector_store %arg5[%swap3A, %swap3A_12], %mul3A_11 {strides = array<i32>} : memref<2000x128xf32, #tpu.memory_space<vmem>>, vector<2000x128xf32>,
    return
  }
  func.func @transform_0(%arg0: i32, %arg1: i32) -> (i32, i32) {
    %c0_i32 = arith.constant 0 : i32
    %c0_i32_0 = arith.constant 0 : i32
    return %arg0, %c0_i32 : i32, i32
  }
  func.func @transform_1(%arg0: i32, %arg1: i32) -> (i32, i32) {
    %c0_i32 = arith.constant 0 : i32
    %c0_i32_0 = arith.constant 0 : i32
    return %c0_i32, %arg1 : i32, i32
  }
  func.func @transform_2(%arg0: i32, %arg1: i32) -> (i32, i32) {
    %c0_i32 = arith.constant 0 : i32
    %c0_i32_0 = arith.constant 0 : i32
    return %arg0, %c0_i32 : i32, i32
  }
  func.func @transform_3(%arg0: i32, %arg1: i32) -> (i32, i32) {
    %mul3A = arith.constant 5 : i32
    %mul3A_0 = arith.muli %arg1, %mul3A : i32
    %add3A = arith.addi %mul3A_0, %arg0 : i32
    %c0_i32 = arith.constant 0 : i32
    %c0_i32_1 = arith.constant 0 : i32
    return %add3A, %c0_i32 : i32, i32
  }
}

module attributes {stable_mosaic.version = 14 : i64} {
  func.func @fin_body(%arg0: i32, %arg1: i32, %arg2: memref<1x2000x128xf32, #tpu.memory_space<vmem>>, %arg3: memref<2000x128xf32, #tpu.memory_space<vmem>>, %arg4: memref<2000x1xi32, #tpu.memory_space<vmem>>, %arg5: memref<8x128xf32, #tpu.memory_space<vmem>>, %arg6: memref<2000x128xf32, #tpu.memory_space<vmem>>) attributes {dimension_semantics = [#tpu.dimension_semantics<arbitrary>, #tpu.dimension_semantics<arbitrary>], iteration_bounds = array<i64: 5, 2>, scalar_prefetch = 0 : i64, scratch_operands = 0 : i64, tpu.core_type = #tpu.core_type<tc>, window_params = [{transform_indices = @transform_0, window_bounds = array<i64: 1, 2000, 128>}, {transform_indices = @transform_1, window_bounds = array<i64: 2000, 128>}, {transform_indices = @transform_2, window_bounds = array<i64: 2000, 1>}, {transform_indices = @transform_3, window_bounds = array<i64: 8, 128>}, {transform_indices = @transform_4, window_bounds = array<i64: 2000, 128>}]} {
    %get3A = arith.constant 0 : index
    %get3A_0 = arith.constant 0 : index
    %get3A_1 = vector.load %arg4[%get3A, %get3A_0] : memref<2000x1xi32, #tpu.memory_space<vmem>>, vector<2000x1xi32>
    %convert_element_type3A = arith.sitofp %get3A_1 : vector<2000x1xi32> to vector<2000x1xf32>
    %add3A = arith.constant 1.000000e+00 : f32
    %add3A_2 = vector.broadcast %add3A : f32 to vector<2000x1xf32>
    %add3A_3 = arith.addf %convert_element_type3A, %add3A_2 : vector<2000x1xf32>
    %rsqrt3A = math.rsqrt %add3A_3 : vector<2000x1xf32>
    %get3A_4 = arith.constant 0 : index
    %get3A_5 = arith.constant 0 : index
    %get3A_6 = arith.constant 0 : index
    %get3A_7 = vector.load %arg2[%get3A_4, %get3A_5, %get3A_6] : memref<1x2000x128xf32, #tpu.memory_space<vmem>>, vector<1x2000x128xf32>
    %get3A_8 = vector.shape_cast %get3A_7 : vector<1x2000x128xf32> to vector<2000x128xf32>
    %get3A_9 = arith.constant 0 : index
    %get3A_10 = arith.constant 0 : index
    %get3A_11 = vector.load %arg3[%get3A_9, %get3A_10] : memref<2000x128xf32, #tpu.memory_space<vmem>>, vector<2000x128xf32>
    %add3A_12 = arith.addf %get3A_8, %get3A_11 : vector<2000x128xf32>
    %mul3A = vector.broadcast %rsqrt3A : vector<2000x1xf32> to vector<2000x128xf32>
    %mul3A_13 = arith.mulf %add3A_12, %mul3A : vector<2000x128xf32>
    %get3A_14 = arith.constant 0 : index
    %get3A_15 = arith.constant 0 : index
    %get3A_16 = vector.load %arg5[%get3A_14, %get3A_15] : memref<8x128xf32, #tpu.memory_space<vmem>>, vector<1x128xf32>
    %add3A_17 = vector.broadcast %get3A_16 : vector<1x128xf32> to vector<2000x128xf32>
    %add3A_18 = arith.addf %mul3A_13, %add3A_17 : vector<2000x128xf32>
    %swap3A = arith.constant 0 : index
    %swap3A_19 = arith.constant 0 : index
    %swap3A_20 = vector.load %arg6[%swap3A, %swap3A_19] : memref<2000x128xf32, #tpu.memory_space<vmem>>, vector<2000x128xf32>
    tpu.vector_store %arg6[%swap3A, %swap3A_19], %add3A_18 {strides = array<i32>} : memref<2000x128xf32, #tpu.memory_space<vmem>>, vector<2000x128xf32>,
    return
  }
  func.func @transform_0(%arg0: i32, %arg1: i32) -> (i32, i32, i32) {
    %c0_i32 = arith.constant 0 : i32
    %c0_i32_0 = arith.constant 0 : i32
    return %arg1, %arg0, %c0_i32 : i32, i32, i32
  }
  func.func @transform_1(%arg0: i32, %arg1: i32) -> (i32, i32) {
    %mul3A = arith.constant 5 : i32
    %mul3A_0 = arith.muli %arg1, %mul3A : i32
    %add3A = arith.addi %mul3A_0, %arg0 : i32
    %c0_i32 = arith.constant 0 : i32
    %c0_i32_1 = arith.constant 0 : i32
    return %add3A, %c0_i32 : i32, i32
  }
  func.func @transform_2(%arg0: i32, %arg1: i32) -> (i32, i32) {
    %c0_i32 = arith.constant 0 : i32
    %c0_i32_0 = arith.constant 0 : i32
    return %arg0, %c0_i32 : i32, i32
  }
  func.func @transform_3(%arg0: i32, %arg1: i32) -> (i32, i32) {
    %c0_i32 = arith.constant 0 : i32
    %c0_i32_0 = arith.constant 0 : i32
    return %c0_i32, %arg1 : i32, i32
  }
  func.func @transform_4(%arg0: i32, %arg1: i32) -> (i32, i32) {
    %c0_i32 = arith.constant 0 : i32
    return %arg0, %arg1 : i32, i32
  }
}

</mosaic_0001>

<sc_bundles>
// kernel: kernel.10.cloned.1.call-start
scs
__scs_entry_jumppad:
0x0: {  	(pc) =	sbr.rel $0x88, $3  }
0x1: {  	(tag) =	ssettag $0x0;
	lr =	simm.s32 $0x1  }
0x2: {  	[smem:$0x3F9D] =	sst lr;
	_ =	strace $0xD0000000  }
0x3: {  	_ = 	snop  }
0x4: {  	_ = 	snop  }
0x5: {  	_ = 	snop  }
0x6: {  	_ = 	snop  }
0x7: {  	_ = 	snop  }
__scs_overlays_trampoline_lowered:
0x8: {  	[smem:$0x3FAC] =	sst s0  }
0x9: {  	[smem:$0x3FAD] =	sst s1  }
0xa: {  	[smem:$0x3FAE] =	sst s2  }
0xb: {  	[smem:$0x3FAF] =	sst s3  }
0xc: {  	[smem:$0x3FB0] =	sst s4  }
0xd: {  	[smem:$0x3FB1] =	sst s5  }
0xe: {  	[smem:$0x3FB2] =	sst s6  }
0xf: {  	[smem:$0x3FB3] =	sst s7  }
0x10: {  	[smem:$0x3FB4] =	sst s8  }
0x11: {  	[smem:$0x3FB5] =	sst s9;
	s0 =	simm.s32 @!p0 $0x0  }
0x12: {  	s1 =	sld [smem:$0x3F9B];
	s0 =	simm.s32 @p0 $0x1  }
0x13: {  	[smem:$0x3FB6] =	sst s0;
	s0 =	simm.s32 @!p1 $0x0  }
0x14: {  	s2 =	sld [smem:$0x3F9A];
	s0 =	simm.s32 @p1 $0x1  }
0x15: {  	[smem:$0x3FB7] =	sst s0;
	s0 =	simm.s32 @!p2 $0x0  }
0x16: {  	s3 =	sld [smem:$0x3FDB];
	s0 =	simm.s32 @p2 $0x1  }
0x17: {  	s4 =	simm.s32 $0x1BF5;
	[smem:$0x3FB9] =	sst s0  }
0x18: {  	s0 =	sld [smem:$0x3F9C];
	_ =	swait.ge [sflag:s4], $0x0  }
0x19: {  	s7 =	sld [smem:$0x3F9D]  }
0x1a: {  	s8 =	sadd.s32 $0xFFFFE003, lr  }
0x1b: {  	s9 =	sadd.s32 $0xFFFFFEF7, lr;
	s5 =	simm.s32 $0xFFFFFFFF;
	p2 =	slt.u32 s8, $0xFFFFF086  }
0x1c: {  	p1 =	slt.u32 s9, $0xF7A;
	s5 =	simm.s32 @!p2 $0x0  }
0x1d: {  	s5 =	simm.s32 @p1 $0x1;
	p0 =	seq.s32 s7, s2  }
0x1e: {  	s7 =	smul.u32 @!p0 $0xF7A, s2;
	p2 =	seq.s32 @!p0 s5, $0x0  }
0x1f: {  	s9 =	smul.u32 $0xF7A, s1;
	s8 =	simm.s32 @!p0 $0x1BF5;
	p2 =	por !p2, p0  }
0x20: {  	[sflag:s8] =	ssyncset.s32 @!p0 $0xFFFFF086;
	s6 =	sadd.s32 @!p0 s3, s7;
	s7 =	simm.s32 @!p0 $0x108  }
0x21: {  	s3 =	sadd.s32 s3, s9;
	s6 =	sadd.s32 @!p0 $0x88, s6;
	s7 =	simm.s32 @p2 $0x1082  }
0x22: {  	[simem:s7], [sflag:s8] =	dma.local @!p0 [hbm:s6], $0xF7A  }
0x23: {  	s9 =	sor.u32 $0xD0000000, s2;
	s6 =	simm.s32 $0x108;
	_ =	swait.ge @!p0 [sflag:s8], $0x0  }
0x24: {  	s3 =	sadd.s32 $0x88, s3;
	s6 =	simm.s32 @!p1 $0x1082;
	[sflag:s4] =	ssyncset.s32 $0xFFFFF086  }
0x25: {  	[simem:s6], [sflag:s4] =	dma.local [hbm:s3], $0xF7A  }
0x26: {  	[smem:$0x3F9D] =	sst s1;
	(tag) =	ssettag s2;
	_ =	strace s9  }
0x27: {  	s1 =	sld [smem:$0x3FAD]  }
0x28: {  	s2 =	sld [smem:$0x3FAE]  }
0x29: {  	s4 =	sld [smem:$0x3FB0]  }
0x2a: {  	p0 =	seq.s32 s5, $0x0;
	s5 =	sld [smem:$0x3FB1]  }
0x2b: {  	s6 =	sld [smem:$0x3FB2]  }
0x2c: {  	s7 =	sld [smem:$0x3FB3]  }
0x2d: {  	s3 =	simm.s32 $0x108;
	s8 =	sld [smem:$0x3FB4]  }
0x2e: {  	s3 =	simm.s32 @!p0 $0x1082;
	s9 =	sld [smem:$0x3FB5]  }
0x2f: {  	lr =	sadd.s32 s0, s3;
	s0 =	sld [smem:$0x3FAC]  }
0x30: {  	s3 =	sld [smem:$0x3FAF]  }
0x31: {  	[smem:$0x3FB8] =	sst s10  }
0x32: {  	s10 =	sld [smem:$0x3FB6];
	_ =	sdelay $0x3  }
0x33: {  	p0 =	seq.s32 s10, $0x1;
	s10 =	sld [smem:$0x3FB8];
	_ =	sdelay $0x3  }
0x34: {  	[smem:$0x3FB8] =	sst s10  }
0x35: {  	s10 =	sld [smem:$0x3FB7];
	_ =	sdelay $0x3  }
0x36: {  	p1 =	seq.s32 s10, $0x1;
	s10 =	sld [smem:$0x3FB8];
	_ =	sdelay $0x3  }
0x37: {  	[smem:$0x3FB8] =	sst s10  }
0x38: {  	s10 =	sld [smem:$0x3FB9]  }
0x39: {  	_ = 	snop;
	(pc) =	sbr.ind lr, $3  }
0x3a: {  	_ = 	snop  }
0x3b: {  	_ = 	snop  }
0x3c: {  	p2 =	seq.s32 s10, $0x1;
	s10 =	sld [smem:$0x3FB8]  }
0x3d: {  	_ =	shalt  }
0x3e: {  	_ =	shalt  }
0x3f: {  	_ =	shalt  }
0x40: {  	_ =	shalt  }
0x41: {  	_ =	shalt  }
0x42: {  	_ =	shalt  }
0x43: {  	_ =	shalt  }
0x44: {  	_ =	shalt  }
0x45: {  	_ =	shalt  }
0x46: {  	_ =	shalt  }
0x47: {  	_ =	shalt  }
0x48: {  	_ =	shalt  }
0x49: {  	_ =	shalt  }
0x4a: {  	_ =	shalt  }
0x4b: {  	_ =	shalt  }
0x4c: {  	_ =	shalt  }
0x4d: {  	_ =	shalt  }
0x4e: {  	_ =	shalt  }
0x4f: {  	_ =	shalt  }
0x50: {  	_ =	shalt  }
0x51: {  	_ =	shalt  }
0x52: {  	_ =	shalt  }
0x53: {  	_ =	shalt  }
0x54: {  	_ =	shalt  }
0x55: {  	_ =	shalt  }
0x56: {  	_ =	shalt  }
0x57: {  	_ =	shalt  }
0x58: {  	_ =	shalt  }
0x59: {  	_ =	shalt  }
0x5a: {  	_ =	shalt  }
0x5b: {  	_ =	shalt  }
0x5c: {  	_ =	shalt  }
0x5d: {  	_ =	shalt  }
0x5e: {  	_ =	shalt  }
0x5f: {  	_ =	shalt  }
0x60: {  	_ =	shalt  }
0x61: {  	_ =	shalt  }
0x62: {  	_ =	shalt  }
0x63: {  	_ =	shalt  }
0x64: {  	_ =	shalt  }
0x65: {  	_ =	shalt  }
0x66: {  	_ =	shalt  }
0x67: {  	_ =	shalt  }
0x68: {  	_ =	shalt  }
0x69: {  	_ =	shalt  }
0x6a: {  	_ =	shalt  }
0x6b: {  	_ =	shalt  }
0x6c: {  	_ =	shalt  }
0x6d: {  	_ =	shalt  }
0x6e: {  	_ =	shalt  }
0x6f: {  	_ =	shalt  }
0x70: {  	_ =	shalt  }
0x71: {  	_ =	shalt  }
0x72: {  	_ =	shalt  }
0x73: {  	_ =	shalt  }
0x74: {  	_ =	shalt  }
0x75: {  	_ =	shalt  }
0x76: {  	_ =	shalt  }
0x77: {  	_ =	shalt  }
0x78: {  	_ =	shalt  }
0x79: {  	_ =	shalt  }
0x7a: {  	_ =	shalt  }
0x7b: {  	_ =	shalt  }
0x7c: {  	_ =	shalt  }
0x7d: {  	_ =	shalt  }
0x7e: {  	_ =	shalt  }
0x7f: {  	_ =	shalt  }
0x80: {  	_ =	shalt  }
0x81: {  	_ =	shalt  }
0x82: {  	_ =	shalt  }
0x83: {  	_ =	shalt  }
0x84: {  	_ =	shalt  }
0x85: {  	_ =	shalt  }
0x86: {  	_ =	shalt  }
0x87: {  	_ =	shalt  }
.Lfunc_end0:
.L_simem_size_0:
called_computation.1_lowered:
.L_overlay_start_0:
0x88: {  	s2 =	sld [smem:$0x3FD9]  }
0x89: {  	s3 =	sld [smem:$0x3FFE];
	_ =	sdelay $0x1  }
0x8a: {  	s1 =	srdreg.scid  }
0x8b: {  	s0 =	sand.u32 $0x1, s1  }
0x8c: {  	s17 =	sshll.u32 s0, $0xA;
	s2 =	sadd.s32 s3, s2  }
0x8d: {  	s2 =	sadd.s32 s2, s17  }
0x8e: {  	[smem:$0x3FC4] =	sst s2  }
0x8f: {  	_ = 	snop  }
0x90: {  	s2 =	sld [smem:$0x3FD0];
	(tm) =	ssettm $0x1  }
0x91: {  	s18 =	sld [smem:$0x3FFB];
	_ =	sdelay $0x3  }
0x92: {  	_ =	strace s18  }
0x93: {  	s3 =	sld [smem:$0x3FFC];
	_ =	sdelay $0x3  }
0x94: {  	_ =	strace s3  }
0x95: {  	s3 =	sld [smem:$0x3FFD];
	_ =	sdelay $0x3  }
0x96: {  	_ =	strace s3  }
0x97: {  	_ =	strace $0x8FFFFFFF  }
0x98: {  	s19 =	sld [smem:$0x3FDB];
	_ =	sdelay $0x1  }
0x99: {  	s4 =	simm.s32 $_scs_section_size  }
0x9a: {  	s5 =	simm.s32 $_size__tile_overlayer_lowered;
	s6 =	simm.s32 $_tile_overlayer_lowered  }
0x9b: {  	s22 =	simm.s32 $0x1BFF;
	s21 =	sshll.u32 s6, $0x1;
	s3 =	sadd.s32 s4, s19  }
0x9c: {  	s7 =	simm.s32 $0x0;
	s20 =	sshll.u32 s5, $0x1;
	s5 =	sadd.s32 s21, s3  }
0x9d: {  	[timem:s7], [sflag:s22] =	dma.local [hbm:s5], s20  }
0x9e: {  	_ =	swait.ge [sflag:s22], s20  }
0x9f: {  	s4 =	ssub.s32 $0x0, s20;
	[sflag:s22] =	ssyncset.done $0x0  }
0xa0: {  	[sflag:s22] =	ssyncadd.s32 s4;
	_ =	sdelay $0x1  }
0xa1: {  	s23 =	simm.s32 $0x1B8B  }
0xa2: {  	_ =	swait.ge [sflag:s23], $0x1  }
0xa3: {  	[sflag:s23] =	ssyncset.done $0x0  }
0xa4: {  	s25 =	simm.s32 $0x1B8E;
	s24 =	sld [smem:$0x3FFE];
	[sflag:s23] =	ssyncadd.s32 $0xFFFFFFFF  }
0xa5: {  	s26 =	simm.s32 $execute0_lowered;
	[smem:$0x3FD2] =	sst s25  }
0xa6: {  	s5 =	sshll.u32 s26, $0x1;
	_ =	strace $0x80000049;
	[dreg:$0x1] =	wrdreg $0xFFFFFFFF  }
0xa7: {  	s28 =	simm.s32 $_size_execute0_lowered;
	s3 =	sadd.s32 s3, s5;
	[dreg:$0x0] =	wrdreg $0x0  }
0xa8: {  	s5 =	sshll.u32 s28, $0x1;
	[dreg:$0x2] =	wrdreg s3  }
0xa9: {  	[dreg:$0x3] =	wrdreg s5  }
0xaa: {  	[dreg:$0x4] =	wrdreg $0xC0  }
0xab: {  	_ =	task [dreg:s7], $0x5FFFF  }
0xac: {  	[dreg:$0x1] =	wrdreg $0xFFFFFFFF  }
0xad: {  	[dreg:$0x0] =	wrdreg $0x60  }
0xae: {  	[dreg:$0x2] =	wrdreg s24  }
0xaf: {  	[dreg:$0x3] =	wrdreg s2  }
0xb0: {  	[dreg:$0x4] =	wrdreg $0xA8000  }
0xb1: {  	[dreg:$0x5] =	wrdreg $0x9  }
0xb2: {  	_ =	task.clear_ibuf [dreg:s7], $0x6FFFF;
	_ =	strace $0x90000049  }
0xb3: {  	s29 =	simm.s32 $0x9;
	_ =	strace $0x8000004B  }
0xb4: {  	_ =	swait.ge [sflag:s29], $0x1  }
0xb5: {  	[sflag:s29] =	ssyncadd.s32 $0xFFFFFFFF  }
0xb6: {  	_ =	strace $0x9000004B  }
0xb7: {  	_ =	sfence  }
0xb8: {  	s30 =	sld [smem:$0x0];
	_ =	sdelay $0x2  }
0xb9: {  	s31 =	sshll.u32 s1, $0xD;
	s1 =	sshrl.u32 s1, $0x2  }
0xba: {  	s3 =	sand.u32 $0x4000, s31;
	s1 =	sadd.s32 s1, s30  }
0xbb: {  	s0 =	sor.u32 s3, s0;
	s1 =	sshll.u32 s1, $0x11  }
0xbc: {  	s0 =	sor.u32 s1, s0  }
0xbd: {  	s0 =	sadd.s32 $0x8F2B, s0  }
0xbe: {  	[sflag:s0] =	ssyncadd.remote.s32 $0x1  }
0xbf: {  	_ =	sfence.sel $0xFFFF  }
0xc0: {  	[dreg:$0x0] =	wrdreg $0xFFFFFFFF;
	(pc) =	sbr.abs _section_cstart, $3  }
0xc1: {  	[dreg:$0x1] =	wrdreg $0xFFFFFFFF  }
0xc2: {  	_ =	task.clear_ibuf [dreg:s7], $0x2FFFF;
	_ =	strace $0x9FFFFFFF  }
0xc3: {  	(tm) =	ssettm $0x7FFFFFFF  }
tec
execute0_lowered:
.L_overlay_start_1:
0x0: {  	(tag) =	ssettag $0x1  }
0x1: {  	s0 =	rddreg [dreg:$0x0]  }
0x2: {  	s3 =	rddreg [dreg:$0x1]  }
0x3: {  	s1 =	rddreg [dreg:$0x2]  }
0x4: {  	s2 =	simm.s32 $0x0;
	s4 =	srdreg.scid;
	s5 =	stileid.u32  }
0x5: {  	s18 =	simm.s32 $0x2800;
	s19 =	simm.s32 $0x5;
	s21 =	simm.s32 $0x1400  }
0x6: {  	s22 =	simm.s32 $0x80;
	s23 =	simm.s32 $0x1;
	s24 =	simm.s32 $0x6800  }
0x7: {  	s28 =	simm.s32 $0x1480;
	s29 =	simm.s32 $0x3;
	s6 =	smul.u32 $0x4E000, s5  }
0x8: {  	s30 =	simm.s32 $0x4;
	s31 =	simm.s32 $0x0;
	s11 =	smul.u32 $0x2800, s5  }
0x9: {  	[smem:$0x7FF] =	sst s2;
	s9 =	sand.u32 $0x1, s4;
	s20 =	smul.u32 $0x500, s5  }
0xa: {  	s12 =	sadd.s32 $0x5C00, s0;
	s8 =	sadd.s32 $0x138000, s1;
	s26 =	smul.u32 $0x2700, s5  }
0xb: {  	p0 =	sne.s32 s5, $0xF;
	s4 =	smul.u32 $0x5000, s9;
	_ =	strace $0x8000004A  }
0xc: {  	s25 =	ssub.s32 $0x2, s9;
	s13 =	smul.u32 $0x27100, s9;
	s6 =	sshrl.u32 s6, $0x2  }
0xd: {  	s7 =	sshrl.u32 s25, $0x1;
	s11 =	sshrl.u32 s11, $0x3;
	s10 =	sadd.s32 s4, s0  }
0xe: {  	s4 =	sadd.s32 $0x14C00, s0;
	s0 =	sadd.s32 $0xC00, s0;
	s6 =	sadd.s32 s6, s1  }
0xf: {  	s11 =	sadd.s32 $0x280, s11;
	s13 =	sadd.s32 s3, s13;
	[dreg:$0x4] =	wrdreg s0  }
0x10: {  	s0 =	ssub.s32 s25, s7;
	s7 =	sadd.s32 $0x10000, s6;
	s9 =	sadd.s32 $0xAC00, s10  }
0x11: {  	s10 =	sadd.s32 s12, s20;
	s12 =	sadd.s32 s12, s11;
	s15 =	sadd.s32 $0x4000, s6  }
0x12: {  	s16 =	sadd.s32 $0x8000, s6;
	s17 =	sadd.s32 $0xC000, s6;
	s25 =	sadd.s32 s26, s13  }
0x13: {  	s26 =	simm.s32 $0x2;
	s14 =	smax.u32 s0, $0x1;
	s20 =	sadd.s32 s20, s9  }
.LBB2_1:
0x14: {  	s0 =	rddreg [dreg:$0x4]  }
0x15: {  	[tilespmem:s18], [sflag:$0x5] =	stream.linear.gather [hbm4b:s0+s2], $0x4000, $0x38;
	[tilespmem:$0x1E100] =	vst v63  }
0x16: {  	_ =	swait.ge [sflag:s19], $0x4000  }
0x17: {  	[sflag:s19] =	ssyncset.done $0x0  }
0x18: {  	[sflag:s19] =	ssyncadd.s32 $0xFFFFC000  }
0x19: {  	[spmem:s6] =	stream.linear.scatter [tilespmem:s18], [sflag:$0x5], $0x4000, $0x38;
	[tilespmem:$0x1E100] =	vst v63  }
0x1a: {  	_ =	swait.ge [sflag:s19], $0x4000  }
0x1b: {  	[sflag:s19] =	ssyncset.done $0x0  }
0x1c: {  	[sflag:s19] =	ssyncadd.s32 $0xFFFFC000  }
0x1d: {  	[spmem:s15] =	stream.linear.scatter [tilespmem:s18], [sflag:$0x5], $0x4000, $0x38;
	[tilespmem:$0x1E100] =	vst v63  }
0x1e: {  	_ =	swait.ge [sflag:s19], $0x4000  }
0x1f: {  	[sflag:s19] =	ssyncset.done $0x0  }
0x20: {  	[sflag:s19] =	ssyncadd.s32 $0xFFFFC000  }
0x21: {  	[spmem:s16] =	stream.linear.scatter [tilespmem:s18], [sflag:$0x5], $0x4000, $0x38;
	[tilespmem:$0x1E100] =	vst v63  }
0x22: {  	_ =	swait.ge [sflag:s19], $0x4000  }
0x23: {  	[sflag:s19] =	ssyncset.done $0x0  }
0x24: {  	[sflag:s19] =	ssyncadd.s32 $0xFFFFC000  }
0x25: {  	[spmem:s17] =	stream.linear.scatter [tilespmem:s18], [sflag:$0x5], $0x4000, $0x38;
	[tilespmem:$0x1E100] =	vst v63  }
0x26: {  	_ =	swait.ge [sflag:s19], $0x4000  }
0x27: {  	[sflag:s19] =	ssyncset.done $0x0  }
0x28: {  	[sflag:s19] =	ssyncadd.s32 $0xFFFFC000  }
0x29: {  	[spmem:s7] =	stream.linear.scatter [tilespmem:s18], [sflag:$0x5], $0x3800, $0x38;
	[tilespmem:$0x1E100] =	vst v63  }
0x2a: {  	_ =	swait.ge [sflag:s19], $0x3800  }
0x2b: {  	[sflag:s19] =	ssyncset.done $0x0  }
0x2c: {  	s0 =	simm.s32 @!p0 $0x2800;
	[sflag:s19] =	ssyncadd.s32 $0xFFFFC800  }
0x2d: {  	[spmem:s8] =	stream.linear.scatter @!p0 [tilespmem:s0], [sflag:$0x5], $0x1000, $0x38;
	[tilespmem:$0x1E100] =	vst v63  }
0x2e: {  	s0 =	simm.s32 @!p0 $0x5  }
0x2f: {  	_ =	swait.ge @!p0 [sflag:s0], $0x1000  }
0x30: {  	[sflag:s0] =	ssyncset.done @!p0 $0x0  }
0x31: {  	[sflag:s0] =	ssyncadd.s32 @!p0 $0xFFFFF000  }
0x32: {  	[bflag:$0x0] =	sbarrier.arrive $0xFFFF  }
0x33: {  	[tilespmem:s2], [sflag:$0x5] =	stream.linear.gather [hbm4b:s20+s2], $0x1400, $0x38;
	[tilespmem:$0x1E100] =	vst v63  }
0x34: {  	_ =	swait.ge [sflag:s19], $0x1400  }
0x35: {  	[sflag:s19] =	ssyncset.done $0x0  }
0x36: {  	[sflag:s19] =	ssyncadd.s32 $0xFFFFEC00  }
0x37: {  	[tilespmem:s21], [sflag:$0x5] =	stream.linear.gather [hbm4b:s10+s2], $0x1400, $0x38;
	[tilespmem:$0x1E100] =	vst v63  }
0x38: {  	_ =	swait.ge [sflag:s19], $0x1400  }
0x39: {  	[sflag:s19] =	ssyncset.done $0x0  }
0x3a: {  	[sflag:s19] =	ssyncadd.s32 $0xFFFFEC00  }
0x3b: {  	[tilespmem:s18], [sflag:$0x1] =	stream.indirect.gather [hbm4b:s4+s22], $0x80, s2, s22, $0xb8;
	[tilespmem:$0x1E100] =	vst v63  }
0x3c: {  	_ =	swait.ge [sflag:s23], $0x4000  }
0x3d: {  	[sflag:s23] =	ssyncset.done $0x0  }
0x3e: {  	[sflag:s23] =	ssyncadd.s32 $0xFFFFC000  }
0x3f: {  	[spmem:s1] =	stream.indirect.scatter.add.f32 [tilespmem:s18], [sflag:$0x3], $0x80, s21, s22, $0xb8;
	[tilespmem:$0x1E100] =	vst v63  }
0x40: {  	_ = 	snop  }
0x41: {  	[tilespmem:s24], [sflag:$0x2] =	stream.indirect.gather [hbm4b:s4+s22], $0x80, s22, s22, $0xb8;
	[tilespmem:$0x1E100] =	vst v63  }
0x42: {  	_ =	swait.ge [sflag:s26], $0x4000  }
0x43: {  	[sflag:s26] =	ssyncset.done $0x0  }
0x44: {  	[sflag:s26] =	ssyncadd.s32 $0xFFFFC000  }
0x45: {  	[spmem:s1] =	stream.indirect.scatter.add.f32 [tilespmem:s24], [sflag:$0x4], $0x80, s28, s22, $0xb8;
	[tilespmem:$0x1E100] =	vst v63  }
0x46: {  	_ =	swait.ge [sflag:s29], $0x4000  }
0x47: {  	[sflag:s29] =	ssyncset.done $0x0  }
0x48: {  	s5 =	simm.s32 $0x100;
	[sflag:s29] =	ssyncadd.s32 $0xFFFFC000  }
0x49: {  	[tilespmem:s18], [sflag:$0x1] =	stream.indirect.gather [hbm4b:s4+s22], $0x80, s5, s22, $0xb8;
	[tilespmem:$0x1E100] =	vst v63  }
0x4a: {  	_ =	swait.ge [sflag:s23], $0x4000  }
0x4b: {  	[sflag:s23] =	ssyncset.done $0x0  }
0x4c: {  	s3 =	simm.s32 $0x1500;
	[sflag:s23] =	ssyncadd.s32 $0xFFFFC000  }
0x4d: {  	[spmem:s1] =	stream.indirect.scatter.add.f32 [tilespmem:s18], [sflag:$0x3], $0x80, s3, s22, $0xb8;
	[tilespmem:$0x1E100] =	vst v63  }
0x4e: {  	_ =	swait.ge [sflag:s30], $0x4000  }
0x4f: {  	[sflag:s30] =	ssyncset.done $0x0  }
0x50: {  	s5 =	simm.s32 $0x180;
	[sflag:s30] =	ssyncadd.s32 $0xFFFFC000  }
0x51: {  	[tilespmem:s24], [sflag:$0x2] =	stream.indirect.gather [hbm4b:s4+s22], $0x80, s5, s22, $0xb8;
	[tilespmem:$0x1E100] =	vst v63  }
0x52: {  	_ =	swait.ge [sflag:s26], $0x4000  }
0x53: {  	[sflag:s26] =	ssyncset.done $0x0  }
0x54: {  	s0 =	simm.s32 $0xFFFFB800;
	s3 =	simm.s32 $0x1580;
	[sflag:s26] =	ssyncadd.s32 $0xFFFFC000  }
.LBB2_2:
0x55: {  	[spmem:s1] =	stream.indirect.scatter.add.f32 [tilespmem:s24], [sflag:$0x4], $0x80, s3, s22, $0xb8;
	[tilespmem:$0x1E100] =	vst v63  }
0x56: {  	s3 =	smov.u32 s0  }
0x57: {  	p1 =	sne.s32 s0, $0xFFFFFC00;
	s0 =	sadd.s32 $0x400, s0;
	_ =	swait.ge [sflag:s29], $0x4000  }
0x58: {  	s3 =	sshra.s32 s3, $0x2;
	[sflag:s29] =	ssyncset.done $0x0  }
0x59: {  	s5 =	sadd.s32 $0x1400, s3;
	[sflag:s29] =	ssyncadd.s32 $0xFFFFC000  }
0x5a: {  	[tilespmem:s18], [sflag:$0x1] =	stream.indirect.gather [hbm4b:s4+s22], $0x80, s5, s22, $0xb8;
	[tilespmem:$0x1E100] =	vst v63  }
0x5b: {  	_ =	swait.ge [sflag:s23], $0x4000  }
0x5c: {  	[sflag:s23] =	ssyncset.done $0x0  }
0x5d: {  	s5 =	sadd.s32 $0x2800, s3;
	[sflag:s23] =	ssyncadd.s32 $0xFFFFC000  }
0x5e: {  	[spmem:s1] =	stream.indirect.scatter.add.f32 [tilespmem:s18], [sflag:$0x3], $0x80, s5, s22, $0xb8;
	[tilespmem:$0x1E100] =	vst v63  }
0x5f: {  	_ =	swait.ge [sflag:s30], $0x4000  }
0x60: {  	[sflag:s30] =	ssyncset.done $0x0  }
.Ltmp0:
0x61: {  	s5 =	sadd.s32 $0x1480, s3;
	[sflag:s30] =	ssyncadd.s32 $0xFFFFC000;
	(pc) =	sbr.rel @p1 .LBB2_2-.Ltmp0, $4  }
0x62: {  	[tilespmem:s24], [sflag:$0x2] =	stream.indirect.gather [hbm4b:s4+s22], $0x80, s5, s22, $0xb8;
	[tilespmem:$0x1E100] =	vst v63  }
0x63: {  	_ =	swait.ge [sflag:s26], $0x4000  }
0x64: {  	[sflag:s26] =	ssyncset.done $0x0  }
0x65: {  	s3 =	sadd.s32 $0x2880, s3;
	[sflag:s26] =	ssyncadd.s32 $0xFFFFC000  }
0x66: {  	[spmem:s1] =	stream.indirect.scatter.add.f32 [tilespmem:s24], [sflag:$0x4], $0x80, s3, s22, $0xb8;
	[tilespmem:$0x1E100] =	vst v63  }
0x67: {  	_ =	swait.ge [sflag:s29], $0x4000  }
0x68: {  	[sflag:s29] =	ssyncset.done $0x0  }
0x69: {  	[sflag:s29] =	ssyncadd.s32 $0xFFFFC000  }
0x6a: {  	_ =	swait.ge [sflag:s30], $0x4000  }
0x6b: {  	[sflag:s30] =	ssyncset.done $0x0  }
0x6c: {  	s0 =	sadd.s32 s11, s9;
	[sflag:s30] =	ssyncadd.s32 $0xFFFFC000  }
0x6d: {  	[tilespmem:s2], [sflag:$0x5] =	stream.linear.gather [hbm4b:s0+s2], $0x1400, $0x38;
	[tilespmem:$0x1E100] =	vst v63  }
0x6e: {  	_ =	swait.ge [sflag:s19], $0x1400  }
0x6f: {  	[sflag:s19] =	ssyncset.done $0x0  }
0x70: {  	[sflag:s19] =	ssyncadd.s32 $0xFFFFEC00  }
0x71: {  	[tilespmem:s21], [sflag:$0x5] =	stream.linear.gather [hbm4b:s12+s2], $0x1400, $0x38;
	[tilespmem:$0x1E100] =	vst v63  }
0x72: {  	_ =	swait.ge [sflag:s19], $0x1400  }
0x73: {  	[sflag:s19] =	ssyncset.done $0x0  }
0x74: {  	[sflag:s19] =	ssyncadd.s32 $0xFFFFEC00  }
0x75: {  	[tilespmem:s18], [sflag:$0x1] =	stream.indirect.gather [hbm4b:s4+s22], $0x80, s2, s22, $0xb8;
	[tilespmem:$0x1E100] =	vst v63  }
0x76: {  	_ =	swait.ge [sflag:s23], $0x4000  }
0x77: {  	[sflag:s23] =	ssyncset.done $0x0  }
0x78: {  	[sflag:s23] =	ssyncadd.s32 $0xFFFFC000  }
0x79: {  	[spmem:s1] =	stream.indirect.scatter.add.f32 [tilespmem:s18], [sflag:$0x3], $0x80, s21, s22, $0xb8;
	[tilespmem:$0x1E100] =	vst v63  }
0x7a: {  	_ = 	snop  }
0x7b: {  	[tilespmem:s24], [sflag:$0x2] =	stream.indirect.gather [hbm4b:s4+s22], $0x80, s22, s22, $0xb8;
	[tilespmem:$0x1E100] =	vst v63  }
0x7c: {  	_ =	swait.ge [sflag:s26], $0x4000  }
0x7d: {  	[sflag:s26] =	ssyncset.done $0x0  }
0x7e: {  	[sflag:s26] =	ssyncadd.s32 $0xFFFFC000  }
0x7f: {  	[spmem:s1] =	stream.indirect.scatter.add.f32 [tilespmem:s24], [sflag:$0x4], $0x80, s28, s22, $0xb8;
	[tilespmem:$0x1E100] =	vst v63  }
0x80: {  	_ =	swait.ge [sflag:s29], $0x4000  }
0x81: {  	[sflag:s29] =	ssyncset.done $0x0  }
0x82: {  	s5 =	simm.s32 $0x100;
	[sflag:s29] =	ssyncadd.s32 $0xFFFFC000  }
0x83: {  	[tilespmem:s18], [sflag:$0x1] =	stream.indirect.gather [hbm4b:s4+s22], $0x80, s5, s22, $0xb8;
	[tilespmem:$0x1E100] =	vst v63  }
0x84: {  	_ =	swait.ge [sflag:s23], $0x4000  }
0x85: {  	[sflag:s23] =	ssyncset.done $0x0  }
0x86: {  	s3 =	simm.s32 $0x1500;
	[sflag:s23] =	ssyncadd.s32 $0xFFFFC000  }
0x87: {  	[spmem:s1] =	stream.indirect.scatter.add.f32 [tilespmem:s18], [sflag:$0x3], $0x80, s3, s22, $0xb8;
	[tilespmem:$0x1E100] =	vst v63  }
0x88: {  	_ =	swait.ge [sflag:s30], $0x4000  }
0x89: {  	[sflag:s30] =	ssyncset.done $0x0  }
0x8a: {  	s5 =	simm.s32 $0x180;
	[sflag:s30] =	ssyncadd.s32 $0xFFFFC000  }
0x8b: {  	[tilespmem:s24], [sflag:$0x2] =	stream.indirect.gather [hbm4b:s4+s22], $0x80, s5, s22, $0xb8;
	[tilespmem:$0x1E100] =	vst v63  }
0x8c: {  	_ =	swait.ge [sflag:s26], $0x4000  }
0x8d: {  	[sflag:s26] =	ssyncset.done $0x0  }
0x8e: {  	s0 =	simm.s32 $0xFFFFB800;
	s3 =	simm.s32 $0x1580;
	[sflag:s26] =	ssyncadd.s32 $0xFFFFC000  }
.LBB2_4:
0x8f: {  	[spmem:s1] =	stream.indirect.scatter.add.f32 [tilespmem:s24], [sflag:$0x4], $0x80, s3, s22, $0xb8;
	[tilespmem:$0x1E100] =	vst v63  }
0x90: {  	s3 =	smov.u32 s0  }
0x91: {  	p1 =	sne.s32 s0, $0xFFFFFC00;
	s0 =	sadd.s32 $0x400, s0;
	_ =	swait.ge [sflag:s29], $0x4000  }
0x92: {  	s3 =	sshra.s32 s3, $0x2;
	[sflag:s29] =	ssyncset.done $0x0  }
0x93: {  	s5 =	sadd.s32 $0x1400, s3;
	[sflag:s29] =	ssyncadd.s32 $0xFFFFC000  }
0x94: {  	[tilespmem:s18], [sflag:$0x1] =	stream.indirect.gather [hbm4b:s4+s22], $0x80, s5, s22, $0xb8;
	[tilespmem:$0x1E100] =	vst v63  }
0x95: {  	_ =	swait.ge [sflag:s23], $0x4000  }
0x96: {  	[sflag:s23] =	ssyncset.done $0x0  }
0x97: {  	s5 =	sadd.s32 $0x2800, s3;
	[sflag:s23] =	ssyncadd.s32 $0xFFFFC000  }
0x98: {  	[spmem:s1] =	stream.indirect.scatter.add.f32 [tilespmem:s18], [sflag:$0x3], $0x80, s5, s22, $0xb8;
	[tilespmem:$0x1E100] =	vst v63  }
0x99: {  	_ =	swait.ge [sflag:s30], $0x4000  }
0x9a: {  	[sflag:s30] =	ssyncset.done $0x0  }
.Ltmp1:
0x9b: {  	s5 =	sadd.s32 $0x1480, s3;
	[sflag:s30] =	ssyncadd.s32 $0xFFFFC000;
	(pc) =	sbr.rel @p1 .LBB2_4-.Ltmp1, $4  }
0x9c: {  	[tilespmem:s24], [sflag:$0x2] =	stream.indirect.gather [hbm4b:s4+s22], $0x80, s5, s22, $0xb8;
	[tilespmem:$0x1E100] =	vst v63  }
0x9d: {  	_ =	swait.ge [sflag:s26], $0x4000  }
0x9e: {  	[sflag:s26] =	ssyncset.done $0x0  }
0x9f: {  	s3 =	sadd.s32 $0x2880, s3;
	[sflag:s26] =	ssyncadd.s32 $0xFFFFC000  }
0xa0: {  	[spmem:s1] =	stream.indirect.scatter.add.f32 [tilespmem:s24], [sflag:$0x4], $0x80, s3, s22, $0xb8;
	[tilespmem:$0x1E100] =	vst v63  }
0xa1: {  	_ =	swait.ge [sflag:s29], $0x4000  }
0xa2: {  	[sflag:s29] =	ssyncset.done $0x0  }
0xa3: {  	[sflag:s29] =	ssyncadd.s32 $0xFFFFC000  }
0xa4: {  	_ =	swait.ge [sflag:s30], $0x4000  }
0xa5: {  	s0 =	stileid.u32;
	[sflag:s30] =	ssyncset.done $0x0  }
0xa6: {  	s0 =	sshll.u32 s0, $0x6;
	[sflag:s30] =	ssyncadd.s32 $0xFFFFC000  }
0xa7: {  	s5 =	sshrl.u32 s6, $0x3;
	s0 =	sor.u32 $0x1C05, s0;
	[bflag:$0x0] =	sbarrier.arrive $0xFFFF  }
0xa8: {  	[hbm:s25], [sflag:s0] =	dma.local [spmem:s5], $0x2700  }
0xa9: {  	_ =	swait.ge [sflag:s19], $0x2700  }
0xaa: {  	s3 =	sadd.s32 @!p0 $0x27000, s13;
	s31 =	sadd.s32 $0x1, s31;
	[sflag:s19] =	ssyncset.done $0x0  }
0xab: {  	p1 =	sne.s32 s31, s14;
	s5 =	sshrl.u32 @!p0 s8, $0x3;
	[sflag:s19] =	ssyncadd.s32 $0xFFFFD900  }
0xac: {  	[hbm:s3], [sflag:s0] =	dma.local @!p0 [spmem:s5], $0x100  }
.Ltmp2:
0xad: {  	_ = 	snop;
	(pc) =	sbr.rel @p1 .LBB2_1-.Ltmp2, $4  }
0xae: {  	s0 =	simm.s32 @!p0 $0x5  }
0xaf: {  	_ =	swait.ge @!p0 [sflag:s0], $0x100  }
0xb0: {  	[sflag:s0] =	ssyncset.done @!p0 $0x0  }
0xb1: {  	[sflag:s0] =	ssyncadd.s32 @!p0 $0xFFFFFF00  }
0xb2: {  	_ =	sfence.sel $0x180000  }
0xb3: {  	[bflag:$0x0] =	sbarrier.arrive $0xFFFF  }
0xb4: {  	_ =	strace $0x9000004A  }
0xb5: {  	s0 =	stileid.u32;
	[bflag:$0x2] =	sbarrier.arrive $0xFFFF  }
0xb6: {  	p0 =	sne.s32 s0, $0x0;
	s0 =	rddreg [dreg:$0x3]  }
0xb7: {  	s0 =	sadd.s32 @!p0 $0x100000, s0  }
0xb8: {  	[sflag:s0] =	ssyncadd.tile.s32 @!p0 $0x1;
	_ =	shalt  }
.Lfunc_end2:
_tile_overlayer_lowered:
.L_overlay_start_2:
0xb9: {  	(tag) =	ssettag $0x2  }
0xba: {  	s0 =	rddreg [dreg:$0x0];
	s2 =	stileid.u32  }
0xbb: {  	s1 =	rddreg [dreg:$0x1];
	p0 =	sne.s32 s2, $0x0  }
0xbc: {  	s3 =	rddreg [dreg:$0x2];
	[bflag:$0x3] =	sbarrier.arrive $0xFFFF;
	s2 =	simm.s32 @!p0 $0x1C05  }
0xbd: {  	[timem:s3], [sflag:s2] =	dma.local @!p0 [hbm:s0], s1  }
0xbe: {  	s0 =	simm.s32 @!p0 $0x5  }
0xbf: {  	_ =	swait.ge @!p0 [sflag:s0], s1  }
0xc0: {  	s1 =	ssub.s32 @!p0 $0x0, s1;
	[sflag:s0] =	ssyncset.done @!p0 $0x0  }
0xc1: {  	[sflag:s0] =	ssyncadd.s32 @!p0 s1  }
0xc2: {  	[bflag:$0x3] =	sbarrier.arrive $0xFFFF  }
0xc3: {  	_ =	shalt  }

// kernel: kernel.7.cloned.1.call-start
scs
__scs_entry_jumppad:
0x0: {  	(pc) =	sbr.rel $0x88, $3  }
0x1: {  	(tag) =	ssettag $0x0;
	lr =	simm.s32 $0x1  }
0x2: {  	[smem:$0x3F9D] =	sst lr;
	_ =	strace $0xD0000000  }
0x3: {  	_ = 	snop  }
0x4: {  	_ = 	snop  }
0x5: {  	_ = 	snop  }
0x6: {  	_ = 	snop  }
0x7: {  	_ = 	snop  }
__scs_overlays_trampoline_lowered:
0x8: {  	[smem:$0x3FAC] =	sst s0  }
0x9: {  	[smem:$0x3FAD] =	sst s1  }
0xa: {  	[smem:$0x3FAE] =	sst s2  }
0xb: {  	[smem:$0x3FAF] =	sst s3  }
0xc: {  	[smem:$0x3FB0] =	sst s4  }
0xd: {  	[smem:$0x3FB1] =	sst s5  }
0xe: {  	[smem:$0x3FB2] =	sst s6  }
0xf: {  	[smem:$0x3FB3] =	sst s7  }
0x10: {  	[smem:$0x3FB4] =	sst s8  }
0x11: {  	[smem:$0x3FB5] =	sst s9;
	s0 =	simm.s32 @!p0 $0x0  }
0x12: {  	s1 =	sld [smem:$0x3F9B];
	s0 =	simm.s32 @p0 $0x1  }
0x13: {  	[smem:$0x3FB6] =	sst s0;
	s0 =	simm.s32 @!p1 $0x0  }
0x14: {  	s2 =	sld [smem:$0x3F9A];
	s0 =	simm.s32 @p1 $0x1  }
0x15: {  	[smem:$0x3FB7] =	sst s0;
	s0 =	simm.s32 @!p2 $0x0  }
0x16: {  	s3 =	sld [smem:$0x3FDB];
	s0 =	simm.s32 @p2 $0x1  }
0x17: {  	s4 =	simm.s32 $0x1BF5;
	[smem:$0x3FB9] =	sst s0  }
0x18: {  	s0 =	sld [smem:$0x3F9C];
	_ =	swait.ge [sflag:s4], $0x0  }
0x19: {  	s7 =	sld [smem:$0x3F9D]  }
0x1a: {  	s8 =	sadd.s32 $0xFFFFE003, lr  }
0x1b: {  	s9 =	sadd.s32 $0xFFFFFEF7, lr;
	s5 =	simm.s32 $0xFFFFFFFF;
	p2 =	slt.u32 s8, $0xFFFFF086  }
0x1c: {  	p1 =	slt.u32 s9, $0xF7A;
	s5 =	simm.s32 @!p2 $0x0  }
0x1d: {  	s5 =	simm.s32 @p1 $0x1;
	p0 =	seq.s32 s7, s2  }
0x1e: {  	s7 =	smul.u32 @!p0 $0xF7A, s2;
	p2 =	seq.s32 @!p0 s5, $0x0  }
0x1f: {  	s9 =	smul.u32 $0xF7A, s1;
	s8 =	simm.s32 @!p0 $0x1BF5;
	p2 =	por !p2, p0  }
0x20: {  	[sflag:s8] =	ssyncset.s32 @!p0 $0xFFFFF086;
	s6 =	sadd.s32 @!p0 s3, s7;
	s7 =	simm.s32 @!p0 $0x108  }
0x21: {  	s3 =	sadd.s32 s3, s9;
	s6 =	sadd.s32 @!p0 $0x88, s6;
	s7 =	simm.s32 @p2 $0x1082  }
0x22: {  	[simem:s7], [sflag:s8] =	dma.local @!p0 [hbm:s6], $0xF7A  }
0x23: {  	s9 =	sor.u32 $0xD0000000, s2;
	s6 =	simm.s32 $0x108;
	_ =	swait.ge @!p0 [sflag:s8], $0x0  }
0x24: {  	s3 =	sadd.s32 $0x88, s3;
	s6 =	simm.s32 @!p1 $0x1082;
	[sflag:s4] =	ssyncset.s32 $0xFFFFF086  }
0x25: {  	[simem:s6], [sflag:s4] =	dma.local [hbm:s3], $0xF7A  }
0x26: {  	[smem:$0x3F9D] =	sst s1;
	(tag) =	ssettag s2;
	_ =	strace s9  }
0x27: {  	s1 =	sld [smem:$0x3FAD]  }
0x28: {  	s2 =	sld [smem:$0x3FAE]  }
0x29: {  	s4 =	sld [smem:$0x3FB0]  }
0x2a: {  	p0 =	seq.s32 s5, $0x0;
	s5 =	sld [smem:$0x3FB1]  }
0x2b: {  	s6 =	sld [smem:$0x3FB2]  }
0x2c: {  	s7 =	sld [smem:$0x3FB3]  }
0x2d: {  	s3 =	simm.s32 $0x108;
	s8 =	sld [smem:$0x3FB4]  }
0x2e: {  	s3 =	simm.s32 @!p0 $0x1082;
	s9 =	sld [smem:$0x3FB5]  }
0x2f: {  	lr =	sadd.s32 s0, s3;
	s0 =	sld [smem:$0x3FAC]  }
0x30: {  	s3 =	sld [smem:$0x3FAF]  }
0x31: {  	[smem:$0x3FB8] =	sst s10  }
0x32: {  	s10 =	sld [smem:$0x3FB6];
	_ =	sdelay $0x3  }
0x33: {  	p0 =	seq.s32 s10, $0x1;
	s10 =	sld [smem:$0x3FB8];
	_ =	sdelay $0x3  }
0x34: {  	[smem:$0x3FB8] =	sst s10  }
0x35: {  	s10 =	sld [smem:$0x3FB7];
	_ =	sdelay $0x3  }
0x36: {  	p1 =	seq.s32 s10, $0x1;
	s10 =	sld [smem:$0x3FB8];
	_ =	sdelay $0x3  }
0x37: {  	[smem:$0x3FB8] =	sst s10  }
0x38: {  	s10 =	sld [smem:$0x3FB9]  }
0x39: {  	_ = 	snop;
	(pc) =	sbr.ind lr, $3  }
0x3a: {  	_ = 	snop  }
0x3b: {  	_ = 	snop  }
0x3c: {  	p2 =	seq.s32 s10, $0x1;
	s10 =	sld [smem:$0x3FB8]  }
0x3d: {  	_ =	shalt  }
0x3e: {  	_ =	shalt  }
0x3f: {  	_ =	shalt  }
0x40: {  	_ =	shalt  }
0x41: {  	_ =	shalt  }
0x42: {  	_ =	shalt  }
0x43: {  	_ =	shalt  }
0x44: {  	_ =	shalt  }
0x45: {  	_ =	shalt  }
0x46: {  	_ =	shalt  }
0x47: {  	_ =	shalt  }
0x48: {  	_ =	shalt  }
0x49: {  	_ =	shalt  }
0x4a: {  	_ =	shalt  }
0x4b: {  	_ =	shalt  }
0x4c: {  	_ =	shalt  }
0x4d: {  	_ =	shalt  }
0x4e: {  	_ =	shalt  }
0x4f: {  	_ =	shalt  }
0x50: {  	_ =	shalt  }
0x51: {  	_ =	shalt  }
0x52: {  	_ =	shalt  }
0x53: {  	_ =	shalt  }
0x54: {  	_ =	shalt  }
0x55: {  	_ =	shalt  }
0x56: {  	_ =	shalt  }
0x57: {  	_ =	shalt  }
0x58: {  	_ =	shalt  }
0x59: {  	_ =	shalt  }
0x5a: {  	_ =	shalt  }
0x5b: {  	_ =	shalt  }
0x5c: {  	_ =	shalt  }
0x5d: {  	_ =	shalt  }
0x5e: {  	_ =	shalt  }
0x5f: {  	_ =	shalt  }
0x60: {  	_ =	shalt  }
0x61: {  	_ =	shalt  }
0x62: {  	_ =	shalt  }
0x63: {  	_ =	shalt  }
0x64: {  	_ =	shalt  }
0x65: {  	_ =	shalt  }
0x66: {  	_ =	shalt  }
0x67: {  	_ =	shalt  }
0x68: {  	_ =	shalt  }
0x69: {  	_ =	shalt  }
0x6a: {  	_ =	shalt  }
0x6b: {  	_ =	shalt  }
0x6c: {  	_ =	shalt  }
0x6d: {  	_ =	shalt  }
0x6e: {  	_ =	shalt  }
0x6f: {  	_ =	shalt  }
0x70: {  	_ =	shalt  }
0x71: {  	_ =	shalt  }
0x72: {  	_ =	shalt  }
0x73: {  	_ =	shalt  }
0x74: {  	_ =	shalt  }
0x75: {  	_ =	shalt  }
0x76: {  	_ =	shalt  }
0x77: {  	_ =	shalt  }
0x78: {  	_ =	shalt  }
0x79: {  	_ =	shalt  }
0x7a: {  	_ =	shalt  }
0x7b: {  	_ =	shalt  }
0x7c: {  	_ =	shalt  }
0x7d: {  	_ =	shalt  }
0x7e: {  	_ =	shalt  }
0x7f: {  	_ =	shalt  }
0x80: {  	_ =	shalt  }
0x81: {  	_ =	shalt  }
0x82: {  	_ =	shalt  }
0x83: {  	_ =	shalt  }
0x84: {  	_ =	shalt  }
0x85: {  	_ =	shalt  }
0x86: {  	_ =	shalt  }
0x87: {  	_ =	shalt  }
.Lfunc_end0:
.L_simem_size_0:
called_computation_lowered:
.L_overlay_start_0:
0x88: {  	s2 =	sld [smem:$0x3FD9]  }
0x89: {  	s3 =	sld [smem:$0x3FFE];
	_ =	sdelay $0x1  }
0x8a: {  	s1 =	srdreg.scid  }
0x8b: {  	s0 =	sand.u32 $0x1, s1  }
0x8c: {  	s17 =	sshll.u32 s0, $0xA;
	s2 =	sadd.s32 s3, s2  }
0x8d: {  	s2 =	sadd.s32 s2, s17  }
0x8e: {  	[smem:$0x3FC4] =	sst s2  }
0x8f: {  	_ = 	snop  }
0x90: {  	s2 =	sld [smem:$0x3FD0];
	(tm) =	ssettm $0x1  }
0x91: {  	s18 =	sld [smem:$0x3FFB];
	_ =	sdelay $0x3  }
0x92: {  	_ =	strace s18  }
0x93: {  	s3 =	sld [smem:$0x3FFC];
	_ =	sdelay $0x3  }
0x94: {  	_ =	strace s3  }
0x95: {  	s3 =	sld [smem:$0x3FFD];
	_ =	sdelay $0x3  }
0x96: {  	_ =	strace s3  }
0x97: {  	_ =	strace $0x8FFFFFFF  }
0x98: {  	s19 =	sld [smem:$0x3FDB];
	_ =	sdelay $0x1  }
0x99: {  	s4 =	simm.s32 $_scs_section_size  }
0x9a: {  	s5 =	simm.s32 $_size__tile_overlayer_lowered;
	s6 =	simm.s32 $_tile_overlayer_lowered  }
0x9b: {  	s22 =	simm.s32 $0x1BFF;
	s21 =	sshll.u32 s6, $0x1;
	s3 =	sadd.s32 s4, s19  }
0x9c: {  	s7 =	simm.s32 $0x0;
	s20 =	sshll.u32 s5, $0x1;
	s5 =	sadd.s32 s21, s3  }
0x9d: {  	[timem:s7], [sflag:s22] =	dma.local [hbm:s5], s20  }
0x9e: {  	_ =	swait.ge [sflag:s22], s20  }
0x9f: {  	s4 =	ssub.s32 $0x0, s20;
	[sflag:s22] =	ssyncset.done $0x0  }
0xa0: {  	[sflag:s22] =	ssyncadd.s32 s4;
	_ =	sdelay $0x1  }
0xa1: {  	s23 =	simm.s32 $0x1B8B  }
0xa2: {  	_ =	swait.ge [sflag:s23], $0x1  }
0xa3: {  	[sflag:s23] =	ssyncset.done $0x0  }
0xa4: {  	s25 =	simm.s32 $0x1B8E;
	s24 =	sld [smem:$0x3FFE];
	[sflag:s23] =	ssyncadd.s32 $0xFFFFFFFF  }
0xa5: {  	s26 =	simm.s32 $execute0_lowered;
	[smem:$0x3FD2] =	sst s25  }
0xa6: {  	s5 =	sshll.u32 s26, $0x1;
	_ =	strace $0x80000046;
	[dreg:$0x1] =	wrdreg $0xFFFFFFFF  }
0xa7: {  	s28 =	simm.s32 $_size_execute0_lowered;
	s3 =	sadd.s32 s3, s5;
	[dreg:$0x0] =	wrdreg $0x0  }
0xa8: {  	s5 =	sshll.u32 s28, $0x1;
	[dreg:$0x2] =	wrdreg s3  }
0xa9: {  	[dreg:$0x3] =	wrdreg s5  }
0xaa: {  	[dreg:$0x4] =	wrdreg $0xC0  }
0xab: {  	_ =	task [dreg:s7], $0x5FFFF  }
0xac: {  	[dreg:$0x1] =	wrdreg $0xFFFFFFFF  }
0xad: {  	[dreg:$0x0] =	wrdreg $0x60  }
0xae: {  	[dreg:$0x2] =	wrdreg s24  }
0xaf: {  	[dreg:$0x3] =	wrdreg s2  }
0xb0: {  	[dreg:$0x4] =	wrdreg $0x9  }
0xb1: {  	_ =	task.clear_ibuf [dreg:s7], $0x5FFFF;
	_ =	strace $0x90000046  }
0xb2: {  	s29 =	simm.s32 $0x9;
	_ =	strace $0x80000048  }
0xb3: {  	_ =	swait.ge [sflag:s29], $0x1  }
0xb4: {  	[sflag:s29] =	ssyncadd.s32 $0xFFFFFFFF  }
0xb5: {  	_ =	strace $0x90000048  }
0xb6: {  	_ =	sfence  }
0xb7: {  	s30 =	sld [smem:$0x0];
	_ =	sdelay $0x2  }
0xb8: {  	s31 =	sshll.u32 s1, $0xD;
	s1 =	sshrl.u32 s1, $0x2  }
0xb9: {  	s3 =	sand.u32 $0x4000, s31;
	s1 =	sadd.s32 s1, s30  }
0xba: {  	s0 =	sor.u32 s3, s0;
	s1 =	sshll.u32 s1, $0x11  }
0xbb: {  	s0 =	sor.u32 s1, s0  }
0xbc: {  	s0 =	sadd.s32 $0x8F2B, s0  }
0xbd: {  	[sflag:s0] =	ssyncadd.remote.s32 $0x1  }
0xbe: {  	_ =	sfence.sel $0xFFFF  }
0xbf: {  	[dreg:$0x0] =	wrdreg $0xFFFFFFFF;
	(pc) =	sbr.abs _section_cstart, $3  }
0xc0: {  	[dreg:$0x1] =	wrdreg $0xFFFFFFFF  }
0xc1: {  	_ =	task.clear_ibuf [dreg:s7], $0x2FFFF;
	_ =	strace $0x9FFFFFFF  }
0xc2: {  	(tm) =	ssettm $0x7FFFFFFF  }
0xc3: {  	_ =	shalt  }
tec
execute0_lowered:
.L_overlay_start_1:
0x0: {  	(tag) =	ssettag $0x1  }
0x1: {  	s3 =	rddreg [dreg:$0x0]  }
0x2: {  	s4 =	rddreg [dreg:$0x1];
	s1 =	srdreg.scid  }
0x3: {  	s0 =	rddreg [dreg:$0x2];
	s5 =	sand.u32 $0x1, s1  }
0x4: {  	s2 =	simm.s32 $0x0;
	s1 =	stileid.u32;
	s7 =	smul.u32 $0x27800, s5  }
0x5: {  	[smem:$0x7FF] =	sst s2;
	s6 =	sshll.u32 s5, $0x4;
	s8 =	smul.u32 $0x2780, s1  }
0x6: {  	s5 =	ssub.s32 $0x2, s5;
	_ =	strace $0x80000047;
	s6 =	sor.u32 s1, s6  }
0x7: {  	s30 =	sshrl.u32 s5, $0x1;
	s6 =	smul.u32 $0x280, s6;
	s7 =	sadd.s32 s8, s7  }
0x8: {  	s5 =	ssub.s32 s5, s30;
	s8 =	simm.s32 $0x0;
	s31 =	sshrl.u32 s7, $0x3  }
0x9: {  	s5 =	smax.u32 s5, $0x1;
	s7 =	simm.s32 $0x1400;
	s3 =	sadd.s32 s6, s3  }
0xa: {  	v0 =	vimm.s32 $0x0;
	v1 =	vimm.s32 $0x1;
	s4 =	sadd.s32 s4, s31;
	s6 =	simm.s32 $0x1;
	s3 =	sadd.s32 $0xC00, s3  }
.LBB2_1:
0xb: {  	[tilespmem:s2], [sflag:$0x1] =	stream.linear.gather [hbm4b:s3+s2], $0x1400, $0x38;
	[tilespmem:$0x3B80] =	vst v63  }
0xc: {  	_ =	swait.ge [sflag:s6], $0x1400  }
0xd: {  	[sflag:s6] =	ssyncset.done $0x0  }
0xe: {  	s9 =	simm.s32 $0x0;
	[sflag:s6] =	ssyncadd.s32 $0xFFFFEC00  }
.LBB2_2:
0xf: {  	p0 =	sne.s32 s9, $0x9C40  }
.Ltmp0:
0x10: {  	_ = 	snop;
	(pc) =	sbr.rel @p0 .LBB2_2-.Ltmp0, $3  }
0x11: {  	_ =	sdelay $0x1  }
0x12: {  	s10 =	sshra.s32 s9, $0x2  }
0x13: {  	s9 =	sadd.s32 $0x40, s9;
	[tilespmem:s10+$0x1400] =	vst v0  }
0x14: {  	s10 =	simm.s32 $0x0;
	s9 =	simm.s32 $0x40  }
.LBB2_4:
0x15: {  	p0 =	sne.s32 s9, $0x4FC0;
	v2 =	vld [tilespmem:s10+$0x0];
	_ =	sdelay $0x3  }
.Ltmp1:
0x16: {  	(pc) =	sbr.rel @p0 .LBB2_4-.Ltmp1, $2  }
0x17: {  	_ =	sdelay $0x2  }
0x18: {  	s10 =	sshra.s32 s9, $0x2;
	s9 =	sadd.s32 $0x40, s9;
	[tilespmem:v2+s7+$0x0] =	vst.idx.add.s32.msk $0xffff, v1  }
0x19: {  	v2 =	vld [tilespmem:s10+$0x0];
	_ =	sdelay $0x5  }
0x1a: {  	s8 =	sadd.s32 $0x1, s8  }
0x1b: {  	p0 =	sne.s32 s8, s5  }
.Ltmp2:
0x1c: {  	[tilespmem:v2+s7+$0x0] =	vst.idx.add.s32.msk $0xffff, v1;
	(pc) =	sbr.rel @p0 .LBB2_1-.Ltmp2, $4  }
0x1d: {  	[hbm4b:s4+s2] =	stream.linear.scatter [tilespmem:s7], [sflag:$0x1], $0x2710, $0x38;
	[tilespmem:$0x3B80] =	vst v63  }
0x1e: {  	_ =	swait.ge [sflag:s6], $0x2710  }
0x1f: {  	[sflag:s6] =	ssyncset.done $0x0  }
0x20: {  	[sflag:s6] =	ssyncadd.s32 $0xFFFFD8F0  }
0x21: {  	_ =	sfence.sel $0x180000  }
0x22: {  	[bflag:$0x0] =	sbarrier.arrive $0xFFFF  }
0x23: {  	p0 =	sne.s32 s1, $0x0;
	_ =	strace $0x90000047  }
0x24: {  	s0 =	sadd.s32 @!p0 $0x100000, s0;
	[bflag:$0x2] =	sbarrier.arrive $0xFFFF  }
0x25: {  	[sflag:s0] =	ssyncadd.tile.s32 @!p0 $0x1;
	_ =	shalt  }
.Lfunc_end2:
_tile_overlayer_lowered:
.L_overlay_start_2:
0x26: {  	(tag) =	ssettag $0x2  }
0x27: {  	s0 =	rddreg [dreg:$0x0];
	s2 =	stileid.u32  }
0x28: {  	s1 =	rddreg [dreg:$0x1];
	p0 =	sne.s32 s2, $0x0  }
0x29: {  	s3 =	rddreg [dreg:$0x2];
	[bflag:$0x3] =	sbarrier.arrive $0xFFFF;
	s2 =	simm.s32 @!p0 $0x1C01  }
0x2a: {  	[timem:s3], [sflag:s2] =	dma.local @!p0 [hbm:s0], s1  }
0x2b: {  	s0 =	simm.s32 @!p0 $0x1  }
0x2c: {  	_ =	swait.ge @!p0 [sflag:s0], s1  }
0x2d: {  	s1 =	ssub.s32 @!p0 $0x0, s1;
	[sflag:s0] =	ssyncset.done @!p0 $0x0  }
0x2e: {  	[sflag:s0] =	ssyncadd.s32 @!p0 s1  }
0x2f: {  	[bflag:$0x3] =	sbarrier.arrive $0xFFFF  }
0x30: {  	_ =	shalt  }

</sc_bundles>
